<compile_context>
chip_gen: v7x
topology: tpu7x:2x2x1
jax: 0.10.2.dev20260603
libtpu: 0.0.44.dev20260713+nightly
codegen_flags: <defaults>
</compile_context>

<pallas_src>
import jax
import jax.numpy as jnp
from jax import lax
from jax.experimental import pallas as pl
from jax.experimental.pallas import tpu as pltpu
from jax.experimental.pallas import tpu_sc as plsc

B = 128
P = 512 * 512
NSEG = 9
L = 16
NC = 2
NS = 16
NW = NC * NS
CHUNK = 1792
NBUF = 4
RG = 8
NRG = B // RG
SEGW = NSEG * L
ACC = B * SEGW
COUT = 4
NCLS = 8
PSPLIT = 106496
PW = PSPLIT // NW
NPC = PW // CHUNK
NSTEPS = NPC * NRG
BLKC = 8192
TCOFF = PSPLIT // BLKC
TCBLKS = (P - PSPLIT) // BLKC


def _sc_body(x_hbm, seg_hbm, out_hbm, segv, idxp, acc2,
             xb0, xb1, sem0, sem1, fsem):
    cid = lax.axis_index("c")
    sid = lax.axis_index("s")
    wid = sid * NC + cid
    wbase = wid * PW

    pltpu.async_copy(x_hbm.at[pl.ds(0, RG), pl.ds(wbase, PW)], xb0, sem0)
    pltpu.async_copy(x_hbm.at[pl.ds(RG, RG), pl.ds(wbase, PW)], xb1, sem1)

    pltpu.sync_copy(seg_hbm.at[pl.ds(wbase, PW)], segv)
    lane = lax.iota(jnp.int32, L)

    def ib(i, c):
        idxp[pl.ds(i * L, L)] = segv[pl.ds(i * L, L)] * L + lane
        return c

    lax.fori_loop(0, PW // L, ib, 0)

    zv = jnp.zeros((L,), jnp.float32)

    def zb(n, c):
        for j in range(SEGW // L):
            acc2[n, pl.ds(j * L, L)] = zv
        return c

    lax.fori_loop(0, B, zb, 0)

    bufs = (xb0, xb1)
    sems = (sem0, sem1)

    def start(rg, b):
        pltpu.async_copy(
            x_hbm.at[pl.ds(rg * RG, RG), pl.ds(wbase, PW)],
            bufs[b], sems[b])

    def wait(b):
        pltpu.make_async_copy(
            x_hbm.at[pl.ds(0, RG), pl.ds(0, PW)], bufs[b], sems[b]).wait()

    def compute(rg, b):
        buf = bufs[b]
        rows = [jnp.full((L,), rg * RG + r, jnp.int32) for r in range(RG)]

        @plsc.parallel_loop(0, PW // L, unroll=2)
        def vb(v):
            iv = idxp[pl.ds(v * L, L)]
            xs = [buf[r, pl.ds(v * L, L)] for r in range(RG)]
            for r in range(RG):
                plsc.addupdate_scatter(acc2, [rows[r], iv], xs[r])

    def flush(rg):
        pltpu.async_copy(acc2.at[pl.ds(rg * RG, RG), :],
                         out_hbm.at[wid, pl.ds(rg * RG, RG), :], fsem)

    def pair(tp, c):
        for b in range(2):
            t = tp * 2 + b
            wait(b)
            compute(t, b)
            start(t + 2, b)
            flush(t)
        return c

    lax.fori_loop(0, NRG // 2 - 1, pair, 0)
    for b in range(2):
        wait(b)
        compute(NRG - 2 + b, b)
        flush(NRG - 2 + b)
    for _ in range(NRG):
        pltpu.make_async_copy(acc2.at[pl.ds(0, RG), :],
                              out_hbm.at[wid, pl.ds(0, RG), :], fsem).wait()


_sc_call = pl.kernel(
    _sc_body,
    out_type=jax.ShapeDtypeStruct((NW, B, SEGW), jnp.float32),
    mesh=plsc.VectorSubcoreMesh(
        core_axis_name="c", subcore_axis_name="s",
        num_cores=NC, num_subcores=NS),
    compiler_params=pltpu.CompilerParams(needs_layout_passes=False),
    scratch_types=[
        pltpu.VMEM((PW,), jnp.int32),
        pltpu.VMEM((PW,), jnp.int32),
        pltpu.VMEM((B, SEGW), jnp.float32),
        pltpu.VMEM((RG, PW), jnp.float32),
        pltpu.VMEM((RG, PW), jnp.float32),
        pltpu.SemaphoreType.DMA,
        pltpu.SemaphoreType.DMA,
        pltpu.SemaphoreType.DMA,
    ],
)


def _tc_seg_body(x_ref, seg_ref, out_ref):
    i = pl.program_id(0)
    sb = seg_ref[0]
    oh = (sb == lax.broadcasted_iota(jnp.int32, (L, BLKC), 0)
          ).astype(jnp.float32)
    part = lax.dot_general(x_ref[...], oh, (((1,), (1,)), ((), ())),
                           preferred_element_type=jnp.float32)

    @pl.when(i == 0)
    def _():
        out_ref[...] = part

    @pl.when(i > 0)
    def _():
        out_ref[...] += part


_tc_seg_call = pl.pallas_call(
    _tc_seg_body,
    grid=(TCBLKS,),
    in_specs=[
        pl.BlockSpec((B, BLKC), lambda i: (0, TCOFF + i)),
        pl.BlockSpec((1, 1, BLKC), lambda i: (TCOFF + i, 0, 0)),
    ],
    out_specs=pl.BlockSpec((B, L), lambda i: (0, 0)),
    out_shape=jax.ShapeDtypeStruct((B, L), jnp.float32),
)


NFGL = NSEG * COUT


def _ep_body(p_ref, tcp_ref, wpack_ref, wfc_ref, out_ref):
    acc = p_ref[0]
    for w in range(1, NW):
        acc = acc + p_ref[w]
    sel = (lax.broadcasted_iota(jnp.int32, (SEGW, L), 0) // L ==
           lax.broadcasted_iota(jnp.int32, (SEGW, L), 1)).astype(jnp.float32)
    seg16 = (jnp.dot(acc, sel, preferred_element_type=jnp.float32)
             + tcp_ref[...])
    rep = (lax.broadcasted_iota(jnp.int32, (L, NFGL), 1) // COUT ==
           lax.broadcasted_iota(jnp.int32, (L, NFGL), 0)).astype(jnp.float32)
    seg_rep = jnp.dot(seg16, rep, preferred_element_type=jnp.float32)
    wf = jnp.reshape(wpack_ref[pl.ds(0, NFGL)], (1, NFGL))
    bf = jnp.reshape(wpack_ref[pl.ds(NFGL, NFGL)], (1, NFGL))
    bc = jnp.reshape(wpack_ref[pl.ds(2 * NFGL, NCLS)], (1, NCLS))
    flat = seg_rep * wf + bf
    out_ref[...] = (jnp.dot(flat, wfc_ref[...],
                            preferred_element_type=jnp.float32) + bc)


_ep_call = pl.pallas_call(
    _ep_body,
    out_shape=jax.ShapeDtypeStruct((B, NCLS), jnp.float32),
)


def kernel(x, segment_ids, W_fgl, b_fgl, W_fc, b_fc):
    seg32 = segment_ids.astype(jnp.int32)
    part = _sc_call(x, seg32)
    tcp = _tc_seg_call(x, seg32.reshape(P // BLKC, 1, BLKC))
    wpack = jnp.concatenate([W_fgl.reshape(-1), b_fgl.reshape(-1), b_fc])
    return _ep_call(part, tcp, wpack, W_fc)

# --- scband reference (transcript-rebuilt; emitter-appended) ---
"""Pipeline reference for scband-wedge-classifier0-22411139350995 (READ-ONLY COPY).

The authoritative reference and input builder live on the scoring server;
editing this copy changes nothing except your own understanding.
"""

import jax, jax.numpy as jnp
import numpy as np

S = 512
R = 200
N_CLASSES = 8
NOUT = N_CLASSES + 1
COUT = 4
BATCH = 128


def _wedge_segment_ids(s, r, n_classes):
    # Faithful reproduction of wedge_adjacency geometry without cairo:
    # pixel belongs to wedge class c (1..n_classes) if within radius r of the
    # image center and its polar angle falls in [c*2pi/n, (c+1)*2pi/n); else class 0.
    yy, xx = np.meshgrid(np.arange(s), np.arange(s), indexing='ij')
    dx = xx - s // 2
    dy = yy - s // 2
    dist = np.sqrt(dx.astype(np.float64) ** 2 + dy.astype(np.float64) ** 2)
    ang = np.mod(np.arctan2(dy, dx), 2.0 * np.pi)
    pibnc = 2.0 * np.pi / n_classes
    cls = np.minimum((ang / pibnc).astype(np.int64), n_classes - 1) + 1
    seg = np.where(dist <= r, cls, 0).astype(np.int32)
    return seg.reshape(-1)


def setup_inputs(seed: int = 0) -> dict:
    key = jax.random.key(seed)
    k1, k2, k3, k4, k5 = jax.random.split(key, 5)
    x = jax.random.normal(k1, (BATCH, S * S), dtype=jnp.float32)
    segment_ids = jnp.asarray(_wedge_segment_ids(S, R, N_CLASSES))
    # FGL per-output-node linear params (cin=1 -> cout=4 per output node)
    W_fgl = jax.random.normal(k2, (NOUT, COUT), dtype=jnp.float32) * 0.1
    b_fgl = jax.random.normal(k3, (NOUT, COUT), dtype=jnp.float32) * 0.1
    # Final fc: nout*cout -> n_classes
    W_fc = jax.random.normal(k4, (NOUT * COUT, N_CLASSES), dtype=jnp.float32) * 0.1
    b_fc = jax.random.normal(k5, (N_CLASSES,), dtype=jnp.float32) * 0.1
    return {"x": x, "segment_ids": segment_ids, "W_fgl": W_fgl,
            "b_fgl": b_fgl, "W_fc": W_fc, "b_fc": b_fc}


def reference(x, segment_ids, W_fgl, b_fgl, W_fc, b_fc):
    # x: [N, s*s] (torch forward does x.view(N, -1).unsqueeze(1); cin=1)
    N = x.shape[0]
    xf = x.reshape(N, -1)
    # FGL with reduction='sum': sum input-node features into each output node
    # via the fixed wedge adjacency (a segment-sum over pixels).
    seg = jax.ops.segment_sum(xf.T, segment_ids, num_segments=NOUT)  # [NOUT, N]
    # Per-output-node linear transform cin=1 -> cout (op_order '213': reduce then transform)
    h = seg.T[:, :, None] * W_fgl[None, :, :] + b_fgl[None, :, :]  # [N, NOUT, COUT]
    flat = h.reshape(N, NOUT * COUT)
    out = flat @ W_fc + b_fc  # [N, n_classes]
    return out

if __name__ == "__main__":
    import jax
    _d = setup_inputs()
    print(jax.jit(kernel)(*tuple(_d.values())))

</pallas_src>

<mosaic_0001>
#map = affine_map<(d0, d1) -> (0, 0)>
#map1 = affine_map<(d0, d1) -> (0)>
#map2 = affine_map<(d0, d1) -> (0, 0, 0)>
module attributes {stable_mosaic.version = 14 : i64} {
  func.func @_sc_body(%arg0: i32, %arg1: i32, %arg2: memref<128x262144xf32, #tpu.memory_space<hbm>>, %arg3: memref<262144xi32, #tpu.memory_space<hbm>>, %arg4: memref<32x128x144xf32, #tpu.memory_space<hbm>>, %arg5: memref<3328xi32, #tpu.memory_space<vmem>>, %arg6: memref<3328xi32, #tpu.memory_space<vmem>>, %arg7: memref<128x144xf32, #tpu.memory_space<vmem>>, %arg8: memref<8x3328xf32, #tpu.memory_space<vmem>>, %arg9: memref<8x3328xf32, #tpu.memory_space<vmem>>, %arg10: memref<!tpu.dma_semaphore, #tpu.memory_space<semaphore_mem>>, %arg11: memref<!tpu.dma_semaphore, #tpu.memory_space<semaphore_mem>>, %arg12: memref<!tpu.dma_semaphore, #tpu.memory_space<semaphore_mem>>) attributes {dimension_semantics = [#tpu.dimension_semantics<core_parallel>, #tpu.dimension_semantics<subcore_parallel>], iteration_bounds = array<i64: 2, 16>, scalar_prefetch = 0 : i64, scratch_operands = 8 : i64, tpu.core_type = #tpu.core_type<sc_vector_subcore>, window_params = [{transform_indices = #map}, {transform_indices = #map1}, {transform_indices = #map2}]} {
    %mul3A = arith.constant 2 : i32
    %mul3A_0 = arith.muli %arg1, %mul3A : i32
    %add3A = arith.addi %mul3A_0, %arg0 : i32
    %mul3A_1 = arith.constant 3328 : i32
    %mul3A_2 = arith.muli %add3A, %mul3A_1 : i32
    %dma_start3A = arith.constant 0 : i32
    %dma_start3A_3 = tpu.memref_slice %arg2[%dma_start3A, %mul3A_2] : memref<128x262144xf32, #tpu.memory_space<hbm>> -> memref<8x3328xf32, #tpu.memory_space<hbm>>
    %dma_start3A_4 = arith.constant 0 : i32
    %dma_start3A_5 = tpu.memref_slice %arg2[%dma_start3A_4, %mul3A_2] : memref<128x262144xf32, #tpu.memory_space<hbm>> -> memref<8x3328xf32, #tpu.memory_space<hbm>>
    tpu.enqueue_dma source(%dma_start3A_5 : memref<8x3328xf32, #tpu.memory_space<hbm>>) target(%arg8 : memref<8x3328xf32, #tpu.memory_space<vmem>>) target_semaphore(%arg10 : memref<!tpu.dma_semaphore, #tpu.memory_space<semaphore_mem>>)
    %dma_start3A_6 = arith.constant 8 : i32
    %dma_start3A_7 = tpu.memref_slice %arg2[%dma_start3A_6, %mul3A_2] : memref<128x262144xf32, #tpu.memory_space<hbm>> -> memref<8x3328xf32, #tpu.memory_space<hbm>>
    %dma_start3A_8 = arith.constant 8 : i32
    %dma_start3A_9 = tpu.memref_slice %arg2[%dma_start3A_8, %mul3A_2] : memref<128x262144xf32, #tpu.memory_space<hbm>> -> memref<8x3328xf32, #tpu.memory_space<hbm>>
    tpu.enqueue_dma source(%dma_start3A_9 : memref<8x3328xf32, #tpu.memory_space<hbm>>) target(%arg9 : memref<8x3328xf32, #tpu.memory_space<vmem>>) target_semaphore(%arg11 : memref<!tpu.dma_semaphore, #tpu.memory_space<semaphore_mem>>)
    "tpu.region"() ({
      %run_scoped3A = tpu.sem_alloc : memref<!tpu.dma_semaphore, #tpu.memory_space<semaphore_mem>>
      %dma_start3A_328 = tpu.memref_slice %arg3[%mul3A_2] : memref<262144xi32, #tpu.memory_space<hbm>> -> memref<3328xi32, #tpu.memory_space<hbm>>
      %dma_start3A_329 = tpu.memref_slice %arg3[%mul3A_2] : memref<262144xi32, #tpu.memory_space<hbm>> -> memref<3328xi32, #tpu.memory_space<hbm>>
      tpu.enqueue_dma source(%dma_start3A_329 : memref<3328xi32, #tpu.memory_space<hbm>>) target(%arg5 : memref<3328xi32, #tpu.memory_space<vmem>>) target_semaphore(%run_scoped3A : memref<!tpu.dma_semaphore, #tpu.memory_space<semaphore_mem>>)
      %dma_wait3A_330 = tpu.memref_slice %arg3[%mul3A_2] : memref<262144xi32, #tpu.memory_space<hbm>> -> memref<3328xi32, #tpu.memory_space<hbm>>
      %dma_wait3A_331 = tpu.memref_slice %arg3[%mul3A_2] : memref<262144xi32, #tpu.memory_space<hbm>> -> memref<3328xi32, #tpu.memory_space<hbm>>
      tpu.wait_dma2 semaphore(%run_scoped3A : memref<!tpu.dma_semaphore, #tpu.memory_space<semaphore_mem>>) src(%dma_wait3A_331 : memref<3328xi32, #tpu.memory_space<hbm>>) dst(%arg5 : memref<3328xi32, #tpu.memory_space<vmem>>)
      tpu.yield
    }) : () -> ()
    %iota3A = tpu.iota {dimensions = array<i32: 0>} : vector<16xi32>
    %scan3A = arith.constant 0 : i32
    %scan3A_10 = arith.constant 0 : i32
    %scan3A_11 = arith.constant 208 : i32
    %scan3A_12 = arith.addi %scan3A_10, %scan3A_11 : i32
    %scan3A_13 = arith.constant 1 : i32
    scf.for %scan3A_328 = %scan3A_10 to %scan3A_12 step %scan3A_13  : i32 {
      %mul3A_329 = arith.constant 16 : i32
      %mul3A_330 = arith.muli %scan3A_328, %mul3A_329 : i32
      %get3A = arith.index_cast %mul3A_330 : i32 to index
      %get3A_331 = tpu.vector_load %arg5[%get3A] {strides = array<i32>} : memref<3328xi32, #tpu.memory_space<vmem>>, vector<16xi32>,
      %mul3A_332 = arith.constant 16 : i32
      %mul3A_333 = vector.broadcast %mul3A_332 : i32 to vector<16xi32>
      %mul3A_334 = arith.muli %get3A_331, %mul3A_333 : vector<16xi32>
      %add3A_335 = arith.addi %mul3A_334, %iota3A : vector<16xi32>
      %mul3A_336 = arith.constant 16 : i32
      %mul3A_337 = arith.muli %scan3A_328, %mul3A_336 : i32
      %swap3A = arith.index_cast %mul3A_337 : i32 to index
      %swap3A_338 = tpu.vector_load %arg6[%swap3A] {strides = array<i32>} : memref<3328xi32, #tpu.memory_space<vmem>>, vector<16xi32>,
      tpu.vector_store %arg6[%swap3A], %add3A_335 {strides = array<i32>} : memref<3328xi32, #tpu.memory_space<vmem>>, vector<16xi32>,
    }
    %scan3A_14 = arith.constant 208 : i32
    %broadcast_in_dim3A = arith.constant 0.000000e+00 : f32
    %broadcast_in_dim3A_15 = vector.broadcast %broadcast_in_dim3A : f32 to vector<16xf32>
    %scan3A_16 = arith.constant 0 : i32
    %scan3A_17 = arith.constant 0 : i32
    %scan3A_18 = arith.constant 128 : i32
    %scan3A_19 = arith.addi %scan3A_17, %scan3A_18 : i32
    %scan3A_20 = arith.constant 1 : i32
    scf.for %scan3A_328 = %scan3A_17 to %scan3A_19 step %scan3A_20  : i32 {
      %swap3A = arith.index_cast %scan3A_328 : i32 to index
      %swap3A_329 = arith.constant 0 : index
      %swap3A_330 = tpu.vector_load %arg7[%swap3A, %swap3A_329] {strides = array<i32>} : memref<128x144xf32, #tpu.memory_space<vmem>>, vector<16xf32>,
      tpu.vector_store %arg7[%swap3A, %swap3A_329], %broadcast_in_dim3A_15 {strides = array<i32>} : memref<128x144xf32, #tpu.memory_space<vmem>>, vector<16xf32>,
      %swap3A_331 = arith.index_cast %scan3A_328 : i32 to index
      %swap3A_332 = arith.constant 16 : index
      %swap3A_333 = tpu.vector_load %arg7[%swap3A_331, %swap3A_332] {strides = array<i32>} : memref<128x144xf32, #tpu.memory_space<vmem>>, vector<16xf32>,
      tpu.vector_store %arg7[%swap3A_331, %swap3A_332], %broadcast_in_dim3A_15 {strides = array<i32>} : memref<128x144xf32, #tpu.memory_space<vmem>>, vector<16xf32>,
      %swap3A_334 = arith.index_cast %scan3A_328 : i32 to index
      %swap3A_335 = arith.constant 32 : index
      %swap3A_336 = tpu.vector_load %arg7[%swap3A_334, %swap3A_335] {strides = array<i32>} : memref<128x144xf32, #tpu.memory_space<vmem>>, vector<16xf32>,
      tpu.vector_store %arg7[%swap3A_334, %swap3A_335], %broadcast_in_dim3A_15 {strides = array<i32>} : memref<128x144xf32, #tpu.memory_space<vmem>>, vector<16xf32>,
      %swap3A_337 = arith.index_cast %scan3A_328 : i32 to index
      %swap3A_338 = arith.constant 48 : index
      %swap3A_339 = tpu.vector_load %arg7[%swap3A_337, %swap3A_338] {strides = array<i32>} : memref<128x144xf32, #tpu.memory_space<vmem>>, vector<16xf32>,
      tpu.vector_store %arg7[%swap3A_337, %swap3A_338], %broadcast_in_dim3A_15 {strides = array<i32>} : memref<128x144xf32, #tpu.memory_space<vmem>>, vector<16xf32>,
      %swap3A_340 = arith.index_cast %scan3A_328 : i32 to index
      %swap3A_341 = arith.constant 64 : index
      %swap3A_342 = tpu.vector_load %arg7[%swap3A_340, %swap3A_341] {strides = array<i32>} : memref<128x144xf32, #tpu.memory_space<vmem>>, vector<16xf32>,
      tpu.vector_store %arg7[%swap3A_340, %swap3A_341], %broadcast_in_dim3A_15 {strides = array<i32>} : memref<128x144xf32, #tpu.memory_space<vmem>>, vector<16xf32>,
      %swap3A_343 = arith.index_cast %scan3A_328 : i32 to index
      %swap3A_344 = arith.constant 80 : index
      %swap3A_345 = tpu.vector_load %arg7[%swap3A_343, %swap3A_344] {strides = array<i32>} : memref<128x144xf32, #tpu.memory_space<vmem>>, vector<16xf32>,
      tpu.vector_store %arg7[%swap3A_343, %swap3A_344], %broadcast_in_dim3A_15 {strides = array<i32>} : memref<128x144xf32, #tpu.memory_space<vmem>>, vector<16xf32>,
      %swap3A_346 = arith.index_cast %scan3A_328 : i32 to index
      %swap3A_347 = arith.constant 96 : index
      %swap3A_348 = tpu.vector_load %arg7[%swap3A_346, %swap3A_347] {strides = array<i32>} : memref<128x144xf32, #tpu.memory_space<vmem>>, vector<16xf32>,
      tpu.vector_store %arg7[%swap3A_346, %swap3A_347], %broadcast_in_dim3A_15 {strides = array<i32>} : memref<128x144xf32, #tpu.memory_space<vmem>>, vector<16xf32>,
      %swap3A_349 = arith.index_cast %scan3A_328 : i32 to index
      %swap3A_350 = arith.constant 112 : index
      %swap3A_351 = tpu.vector_load %arg7[%swap3A_349, %swap3A_350] {strides = array<i32>} : memref<128x144xf32, #tpu.memory_space<vmem>>, vector<16xf32>,
      tpu.vector_store %arg7[%swap3A_349, %swap3A_350], %broadcast_in_dim3A_15 {strides = array<i32>} : memref<128x144xf32, #tpu.memory_space<vmem>>, vector<16xf32>,
      %swap3A_352 = arith.index_cast %scan3A_328 : i32 to index
      %swap3A_353 = arith.constant 128 : index
      %swap3A_354 = tpu.vector_load %arg7[%swap3A_352, %swap3A_353] {strides = array<i32>} : memref<128x144xf32, #tpu.memory_space<vmem>>, vector<16xf32>,
      tpu.vector_store %arg7[%swap3A_352, %swap3A_353], %broadcast_in_dim3A_15 {strides = array<i32>} : memref<128x144xf32, #tpu.memory_space<vmem>>, vector<16xf32>,
    }
    %scan3A_21 = arith.constant 128 : i32
    %scan3A_22 = arith.constant 0 : i32
    %scan3A_23 = arith.constant 0 : i32
    %scan3A_24 = arith.constant 7 : i32
    %scan3A_25 = arith.addi %scan3A_23, %scan3A_24 : i32
    %scan3A_26 = arith.constant 1 : i32
    scf.for %scan3A_328 = %scan3A_23 to %scan3A_25 step %scan3A_26  : i32 {
      %mul3A_329 = arith.constant 2 : i32
      %mul3A_330 = arith.muli %scan3A_328, %mul3A_329 : i32
      %add3A_331 = arith.constant 0 : i32
      %add3A_332 = arith.addi %mul3A_330, %add3A_331 : i32
      %dma_wait3A_333 = arith.constant 0 : i32
      %dma_wait3A_334 = arith.constant 0 : i32
      %dma_wait3A_335 = tpu.memref_slice %arg2[%dma_wait3A_333, %dma_wait3A_334] : memref<128x262144xf32, #tpu.memory_space<hbm>> -> memref<8x3328xf32, #tpu.memory_space<hbm>>
      %dma_wait3A_336 = arith.constant 0 : i32
      %dma_wait3A_337 = arith.constant 0 : i32
      %dma_wait3A_338 = tpu.memref_slice %arg2[%dma_wait3A_336, %dma_wait3A_337] : memref<128x262144xf32, #tpu.memory_space<hbm>> -> memref<8x3328xf32, #tpu.memory_space<hbm>>
      tpu.wait_dma2 semaphore(%arg10 : memref<!tpu.dma_semaphore, #tpu.memory_space<semaphore_mem>>) src(%dma_wait3A_338 : memref<8x3328xf32, #tpu.memory_space<hbm>>) dst(%arg8 : memref<8x3328xf32, #tpu.memory_space<vmem>>)
      %mul3A_339 = arith.constant 8 : i32
      %mul3A_340 = arith.muli %add3A_332, %mul3A_339 : i32
      %add3A_341 = arith.constant 0 : i32
      %add3A_342 = arith.addi %mul3A_340, %add3A_341 : i32
      %broadcast_in_dim3A_343 = vector.broadcast %add3A_342 : i32 to vector<16xi32>
      %mul3A_344 = arith.constant 8 : i32
      %mul3A_345 = arith.muli %add3A_332, %mul3A_344 : i32
      %add3A_346 = arith.constant 1 : i32
      %add3A_347 = arith.addi %mul3A_345, %add3A_346 : i32
      %broadcast_in_dim3A_348 = vector.broadcast %add3A_347 : i32 to vector<16xi32>
      %mul3A_349 = arith.constant 8 : i32
      %mul3A_350 = arith.muli %add3A_332, %mul3A_349 : i32
      %add3A_351 = arith.constant 2 : i32
      %add3A_352 = arith.addi %mul3A_350, %add3A_351 : i32
      %broadcast_in_dim3A_353 = vector.broadcast %add3A_352 : i32 to vector<16xi32>
      %mul3A_354 = arith.constant 8 : i32
      %mul3A_355 = arith.muli %add3A_332, %mul3A_354 : i32
      %add3A_356 = arith.constant 3 : i32
      %add3A_357 = arith.addi %mul3A_355, %add3A_356 : i32
      %broadcast_in_dim3A_358 = vector.broadcast %add3A_357 : i32 to vector<16xi32>
      %mul3A_359 = arith.constant 8 : i32
      %mul3A_360 = arith.muli %add3A_332, %mul3A_359 : i32
      %add3A_361 = arith.constant 4 : i32
      %add3A_362 = arith.addi %mul3A_360, %add3A_361 : i32
      %broadcast_in_dim3A_363 = vector.broadcast %add3A_362 : i32 to vector<16xi32>
      %mul3A_364 = arith.constant 8 : i32
      %mul3A_365 = arith.muli %add3A_332, %mul3A_364 : i32
      %add3A_366 = arith.constant 5 : i32
      %add3A_367 = arith.addi %mul3A_365, %add3A_366 : i32
      %broadcast_in_dim3A_368 = vector.broadcast %add3A_367 : i32 to vector<16xi32>
      %mul3A_369 = arith.constant 8 : i32
      %mul3A_370 = arith.muli %add3A_332, %mul3A_369 : i32
      %add3A_371 = arith.constant 6 : i32
      %add3A_372 = arith.addi %mul3A_370, %add3A_371 : i32
      %broadcast_in_dim3A_373 = vector.broadcast %add3A_372 : i32 to vector<16xi32>
      %mul3A_374 = arith.constant 8 : i32
      %mul3A_375 = arith.muli %add3A_332, %mul3A_374 : i32
      %add3A_376 = arith.constant 7 : i32
      %add3A_377 = arith.addi %mul3A_375, %add3A_376 : i32
      %broadcast_in_dim3A_378 = vector.broadcast %add3A_377 : i32 to vector<16xi32>
      %parallel_loop3A_379 = arith.constant 0 : i32
      %parallel_loop3A_380 = arith.constant 208 : i32
      %parallel_loop3A_381 = arith.constant 1 : i32
      scf.for %parallel_loop3A_475 = %parallel_loop3A_379 to %parallel_loop3A_380 step %parallel_loop3A_381  : i32 {
        %parallel_loop3A_476 = arith.constant 16 : i32
        %parallel_loop3A_477 = arith.muli %parallel_loop3A_475, %parallel_loop3A_476 : i32
        %parallel_loop3A_478 = arith.index_cast %parallel_loop3A_477 : i32 to index
        %parallel_loop3A_479 = tpu.vector_load %arg6[%parallel_loop3A_478] {strides = array<i32>} : memref<3328xi32, #tpu.memory_space<vmem>>, vector<16xi32>,
        %parallel_loop3A_480 = arith.constant 16 : i32
        %parallel_loop3A_481 = arith.muli %parallel_loop3A_475, %parallel_loop3A_480 : i32
        %parallel_loop3A_482 = arith.constant 0 : i32
        %parallel_loop3A_483 = arith.index_cast %parallel_loop3A_482 : i32 to index
        %parallel_loop3A_484 = arith.index_cast %parallel_loop3A_481 : i32 to index
        %parallel_loop3A_485 = tpu.vector_load %arg8[%parallel_loop3A_483, %parallel_loop3A_484] {strides = array<i32>} : memref<8x3328xf32, #tpu.memory_space<vmem>>, vector<16xf32>,
        %parallel_loop3A_486 = arith.constant 16 : i32
        %parallel_loop3A_487 = arith.muli %parallel_loop3A_475, %parallel_loop3A_486 : i32
        %parallel_loop3A_488 = arith.constant 1 : i32
        %parallel_loop3A_489 = arith.index_cast %parallel_loop3A_488 : i32 to index
        %parallel_loop3A_490 = arith.index_cast %parallel_loop3A_487 : i32 to index
        %parallel_loop3A_491 = tpu.vector_load %arg8[%parallel_loop3A_489, %parallel_loop3A_490] {strides = array<i32>} : memref<8x3328xf32, #tpu.memory_space<vmem>>, vector<16xf32>,
        %parallel_loop3A_492 = arith.constant 16 : i32
        %parallel_loop3A_493 = arith.muli %parallel_loop3A_475, %parallel_loop3A_492 : i32
        %parallel_loop3A_494 = arith.constant 2 : i32
        %parallel_loop3A_495 = arith.index_cast %parallel_loop3A_494 : i32 to index
        %parallel_loop3A_496 = arith.index_cast %parallel_loop3A_493 : i32 to index
        %parallel_loop3A_497 = tpu.vector_load %arg8[%parallel_loop3A_495, %parallel_loop3A_496] {strides = array<i32>} : memref<8x3328xf32, #tpu.memory_space<vmem>>, vector<16xf32>,
        %parallel_loop3A_498 = arith.constant 16 : i32
        %parallel_loop3A_499 = arith.muli %parallel_loop3A_475, %parallel_loop3A_498 : i32
        %parallel_loop3A_500 = arith.constant 3 : i32
        %parallel_loop3A_501 = arith.index_cast %parallel_loop3A_500 : i32 to index
        %parallel_loop3A_502 = arith.index_cast %parallel_loop3A_499 : i32 to index
        %parallel_loop3A_503 = tpu.vector_load %arg8[%parallel_loop3A_501, %parallel_loop3A_502] {strides = array<i32>} : memref<8x3328xf32, #tpu.memory_space<vmem>>, vector<16xf32>,
        %parallel_loop3A_504 = arith.constant 16 : i32
        %parallel_loop3A_505 = arith.muli %parallel_loop3A_475, %parallel_loop3A_504 : i32
        %parallel_loop3A_506 = arith.constant 4 : i32
        %parallel_loop3A_507 = arith.index_cast %parallel_loop3A_506 : i32 to index
        %parallel_loop3A_508 = arith.index_cast %parallel_loop3A_505 : i32 to index
        %parallel_loop3A_509 = tpu.vector_load %arg8[%parallel_loop3A_507, %parallel_loop3A_508] {strides = array<i32>} : memref<8x3328xf32, #tpu.memory_space<vmem>>, vector<16xf32>,
        %parallel_loop3A_510 = arith.constant 16 : i32
        %parallel_loop3A_511 = arith.muli %parallel_loop3A_475, %parallel_loop3A_510 : i32
        %parallel_loop3A_512 = arith.constant 5 : i32
        %parallel_loop3A_513 = arith.index_cast %parallel_loop3A_512 : i32 to index
        %parallel_loop3A_514 = arith.index_cast %parallel_loop3A_511 : i32 to index
        %parallel_loop3A_515 = tpu.vector_load %arg8[%parallel_loop3A_513, %parallel_loop3A_514] {strides = array<i32>} : memref<8x3328xf32, #tpu.memory_space<vmem>>, vector<16xf32>,
        %parallel_loop3A_516 = arith.constant 16 : i32
        %parallel_loop3A_517 = arith.muli %parallel_loop3A_475, %parallel_loop3A_516 : i32
        %parallel_loop3A_518 = arith.constant 6 : i32
        %parallel_loop3A_519 = arith.index_cast %parallel_loop3A_518 : i32 to index
        %parallel_loop3A_520 = arith.index_cast %parallel_loop3A_517 : i32 to index
        %parallel_loop3A_521 = tpu.vector_load %arg8[%parallel_loop3A_519, %parallel_loop3A_520] {strides = array<i32>} : memref<8x3328xf32, #tpu.memory_space<vmem>>, vector<16xf32>,
        %parallel_loop3A_522 = arith.constant 16 : i32
        %parallel_loop3A_523 = arith.muli %parallel_loop3A_475, %parallel_loop3A_522 : i32
        %parallel_loop3A_524 = arith.constant 7 : i32
        %parallel_loop3A_525 = arith.index_cast %parallel_loop3A_524 : i32 to index
        %parallel_loop3A_526 = arith.index_cast %parallel_loop3A_523 : i32 to index
        %parallel_loop3A_527 = tpu.vector_load %arg8[%parallel_loop3A_525, %parallel_loop3A_526] {strides = array<i32>} : memref<8x3328xf32, #tpu.memory_space<vmem>>, vector<16xf32>,
        tpu.vector_store_idx %arg7[%broadcast_in_dim3A_343, %parallel_loop3A_479], %parallel_loop3A_485 {add = true} : memref<128x144xf32, #tpu.memory_space<vmem>>[vector<16xi32>, vector<16xi32>], vector<16xf32>,
        tpu.vector_store_idx %arg7[%broadcast_in_dim3A_348, %parallel_loop3A_479], %parallel_loop3A_491 {add = true} : memref<128x144xf32, #tpu.memory_space<vmem>>[vector<16xi32>, vector<16xi32>], vector<16xf32>,
        tpu.vector_store_idx %arg7[%broadcast_in_dim3A_353, %parallel_loop3A_479], %parallel_loop3A_497 {add = true} : memref<128x144xf32, #tpu.memory_space<vmem>>[vector<16xi32>, vector<16xi32>], vector<16xf32>,
        tpu.vector_store_idx %arg7[%broadcast_in_dim3A_358, %parallel_loop3A_479], %parallel_loop3A_503 {add = true} : memref<128x144xf32, #tpu.memory_space<vmem>>[vector<16xi32>, vector<16xi32>], vector<16xf32>,
        tpu.vector_store_idx %arg7[%broadcast_in_dim3A_363, %parallel_loop3A_479], %parallel_loop3A_509 {add = true} : memref<128x144xf32, #tpu.memory_space<vmem>>[vector<16xi32>, vector<16xi32>], vector<16xf32>,
        tpu.vector_store_idx %arg7[%broadcast_in_dim3A_368, %parallel_loop3A_479], %parallel_loop3A_515 {add = true} : memref<128x144xf32, #tpu.memory_space<vmem>>[vector<16xi32>, vector<16xi32>], vector<16xf32>,
        tpu.vector_store_idx %arg7[%broadcast_in_dim3A_373, %parallel_loop3A_479], %parallel_loop3A_521 {add = true} : memref<128x144xf32, #tpu.memory_space<vmem>>[vector<16xi32>, vector<16xi32>], vector<16xf32>,
        tpu.vector_store_idx %arg7[%broadcast_in_dim3A_378, %parallel_loop3A_479], %parallel_loop3A_527 {add = true} : memref<128x144xf32, #tpu.memory_space<vmem>>[vector<16xi32>, vector<16xi32>], vector<16xf32>,
      } {sc.loop_unroll_factor = 2 : i64, sc.parallel_access}
      %add3A_382 = arith.constant 2 : i32
      %add3A_383 = arith.addi %add3A_332, %add3A_382 : i32
      %mul3A_384 = arith.constant 8 : i32
      %mul3A_385 = arith.muli %add3A_383, %mul3A_384 : i32
      %dma_start3A_386 = tpu.memref_slice %arg2[%mul3A_385, %mul3A_2] : memref<128x262144xf32, #tpu.memory_space<hbm>> -> memref<8x3328xf32, #tpu.memory_space<hbm>>
      %dma_start3A_387 = tpu.memref_slice %arg2[%mul3A_385, %mul3A_2] : memref<128x262144xf32, #tpu.memory_space<hbm>> -> memref<8x3328xf32, #tpu.memory_space<hbm>>
      tpu.enqueue_dma source(%dma_start3A_387 : memref<8x3328xf32, #tpu.memory_space<hbm>>) target(%arg8 : memref<8x3328xf32, #tpu.memory_space<vmem>>) target_semaphore(%arg10 : memref<!tpu.dma_semaphore, #tpu.memory_space<semaphore_mem>>)
      %mul3A_388 = arith.constant 8 : i32
      %mul3A_389 = arith.muli %add3A_332, %mul3A_388 : i32
      %mul3A_390 = arith.constant 8 : i32
      %mul3A_391 = arith.muli %add3A_332, %mul3A_390 : i32
      %dma_start3A_392 = arith.constant 0 : i32
      %dma_start3A_393 = tpu.memref_slice %arg7[%mul3A_389, %dma_start3A_392] : memref<128x144xf32, #tpu.memory_space<vmem>> -> memref<8x144xf32, #tpu.memory_space<vmem>>
      %dma_start3A_394 = arith.constant 0 : i32
      %dma_start3A_395 = tpu.memref_slice %arg4[%add3A, %mul3A_391, %dma_start3A_394] : memref<32x128x144xf32, #tpu.memory_space<hbm>> -> memref<1x8x144xf32, #tpu.memory_space<hbm>>
      %dma_start3A_396 = tpu.memref_squeeze %dma_start3A_395 : memref<1x8x144xf32, #tpu.memory_space<hbm>> -> memref<8x144xf32, #tpu.memory_space<hbm>>
      %dma_start3A_397 = arith.constant 0 : i32
      %dma_start3A_398 = tpu.memref_slice %arg4[%add3A, %mul3A_391, %dma_start3A_397] : memref<32x128x144xf32, #tpu.memory_space<hbm>> -> memref<1x8x144xf32, #tpu.memory_space<hbm>>
      %dma_start3A_399 = tpu.memref_squeeze %dma_start3A_398 : memref<1x8x144xf32, #tpu.memory_space<hbm>> -> memref<8x144xf32, #tpu.memory_space<hbm>>
      %dma_start3A_400 = arith.constant 0 : i32
      %dma_start3A_401 = tpu.memref_slice %arg7[%mul3A_389, %dma_start3A_400] : memref<128x144xf32, #tpu.memory_space<vmem>> -> memref<8x144xf32, #tpu.memory_space<vmem>>
      tpu.enqueue_dma source(%dma_start3A_401 : memref<8x144xf32, #tpu.memory_space<vmem>>) target(%dma_start3A_399 : memref<8x144xf32, #tpu.memory_space<hbm>>) target_semaphore(%arg12 : memref<!tpu.dma_semaphore, #tpu.memory_space<semaphore_mem>>)
      %mul3A_402 = arith.constant 2 : i32
      %mul3A_403 = arith.muli %scan3A_328, %mul3A_402 : i32
      %add3A_404 = arith.constant 1 : i32
      %add3A_405 = arith.addi %mul3A_403, %add3A_404 : i32
      %dma_wait3A_406 = arith.constant 0 : i32
      %dma_wait3A_407 = arith.constant 0 : i32
      %dma_wait3A_408 = tpu.memref_slice %arg2[%dma_wait3A_406, %dma_wait3A_407] : memref<128x262144xf32, #tpu.memory_space<hbm>> -> memref<8x3328xf32, #tpu.memory_space<hbm>>
      %dma_wait3A_409 = arith.constant 0 : i32
      %dma_wait3A_410 = arith.constant 0 : i32
      %dma_wait3A_411 = tpu.memref_slice %arg2[%dma_wait3A_409, %dma_wait3A_410] : memref<128x262144xf32, #tpu.memory_space<hbm>> -> memref<8x3328xf32, #tpu.memory_space<hbm>>
      tpu.wait_dma2 semaphore(%arg11 : memref<!tpu.dma_semaphore, #tpu.memory_space<semaphore_mem>>) src(%dma_wait3A_411 : memref<8x3328xf32, #tpu.memory_space<hbm>>) dst(%arg9 : memref<8x3328xf32, #tpu.memory_space<vmem>>)
      %mul3A_412 = arith.constant 8 : i32
      %mul3A_413 = arith.muli %add3A_405, %mul3A_412 : i32
      %add3A_414 = arith.constant 0 : i32
      %add3A_415 = arith.addi %mul3A_413, %add3A_414 : i32
      %broadcast_in_dim3A_416 = vector.broadcast %add3A_415 : i32 to vector<16xi32>
      %mul3A_417 = arith.constant 8 : i32
      %mul3A_418 = arith.muli %add3A_405, %mul3A_417 : i32
      %add3A_419 = arith.constant 1 : i32
      %add3A_420 = arith.addi %mul3A_418, %add3A_419 : i32
      %broadcast_in_dim3A_421 = vector.broadcast %add3A_420 : i32 to vector<16xi32>
      %mul3A_422 = arith.constant 8 : i32
      %mul3A_423 = arith.muli %add3A_405, %mul3A_422 : i32
      %add3A_424 = arith.constant 2 : i32
      %add3A_425 = arith.addi %mul3A_423, %add3A_424 : i32
      %broadcast_in_dim3A_426 = vector.broadcast %add3A_425 : i32 to vector<16xi32>
      %mul3A_427 = arith.constant 8 : i32
      %mul3A_428 = arith.muli %add3A_405, %mul3A_427 : i32
      %add3A_429 = arith.constant 3 : i32
      %add3A_430 = arith.addi %mul3A_428, %add3A_429 : i32
      %broadcast_in_dim3A_431 = vector.broadcast %add3A_430 : i32 to vector<16xi32>
      %mul3A_432 = arith.constant 8 : i32
      %mul3A_433 = arith.muli %add3A_405, %mul3A_432 : i32
      %add3A_434 = arith.constant 4 : i32
      %add3A_435 = arith.addi %mul3A_433, %add3A_434 : i32
      %broadcast_in_dim3A_436 = vector.broadcast %add3A_435 : i32 to vector<16xi32>
      %mul3A_437 = arith.constant 8 : i32
      %mul3A_438 = arith.muli %add3A_405, %mul3A_437 : i32
      %add3A_439 = arith.constant 5 : i32
      %add3A_440 = arith.addi %mul3A_438, %add3A_439 : i32
      %broadcast_in_dim3A_441 = vector.broadcast %add3A_440 : i32 to vector<16xi32>
      %mul3A_442 = arith.constant 8 : i32
      %mul3A_443 = arith.muli %add3A_405, %mul3A_442 : i32
      %add3A_444 = arith.constant 6 : i32
      %add3A_445 = arith.addi %mul3A_443, %add3A_444 : i32
      %broadcast_in_dim3A_446 = vector.broadcast %add3A_445 : i32 to vector<16xi32>
      %mul3A_447 = arith.constant 8 : i32
      %mul3A_448 = arith.muli %add3A_405, %mul3A_447 : i32
      %add3A_449 = arith.constant 7 : i32
      %add3A_450 = arith.addi %mul3A_448, %add3A_449 : i32
      %broadcast_in_dim3A_451 = vector.broadcast %add3A_450 : i32 to vector<16xi32>
      %parallel_loop3A_452 = arith.constant 0 : i32
      %parallel_loop3A_453 = arith.constant 208 : i32
      %parallel_loop3A_454 = arith.constant 1 : i32
      scf.for %parallel_loop3A_475 = %parallel_loop3A_452 to %parallel_loop3A_453 step %parallel_loop3A_454  : i32 {
        %parallel_loop3A_476 = arith.constant 16 : i32
        %parallel_loop3A_477 = arith.muli %parallel_loop3A_475, %parallel_loop3A_476 : i32
        %parallel_loop3A_478 = arith.index_cast %parallel_loop3A_477 : i32 to index
        %parallel_loop3A_479 = tpu.vector_load %arg6[%parallel_loop3A_478] {strides = array<i32>} : memref<3328xi32, #tpu.memory_space<vmem>>, vector<16xi32>,
        %parallel_loop3A_480 = arith.constant 16 : i32
        %parallel_loop3A_481 = arith.muli %parallel_loop3A_475, %parallel_loop3A_480 : i32
        %parallel_loop3A_482 = arith.constant 0 : i32
        %parallel_loop3A_483 = arith.index_cast %parallel_loop3A_482 : i32 to index
        %parallel_loop3A_484 = arith.index_cast %parallel_loop3A_481 : i32 to index
        %parallel_loop3A_485 = tpu.vector_load %arg9[%parallel_loop3A_483, %parallel_loop3A_484] {strides = array<i32>} : memref<8x3328xf32, #tpu.memory_space<vmem>>, vector<16xf32>,
        %parallel_loop3A_486 = arith.constant 16 : i32
        %parallel_loop3A_487 = arith.muli %parallel_loop3A_475, %parallel_loop3A_486 : i32
        %parallel_loop3A_488 = arith.constant 1 : i32
        %parallel_loop3A_489 = arith.index_cast %parallel_loop3A_488 : i32 to index
        %parallel_loop3A_490 = arith.index_cast %parallel_loop3A_487 : i32 to index
        %parallel_loop3A_491 = tpu.vector_load %arg9[%parallel_loop3A_489, %parallel_loop3A_490] {strides = array<i32>} : memref<8x3328xf32, #tpu.memory_space<vmem>>, vector<16xf32>,
        %parallel_loop3A_492 = arith.constant 16 : i32
        %parallel_loop3A_493 = arith.muli %parallel_loop3A_475, %parallel_loop3A_492 : i32
        %parallel_loop3A_494 = arith.constant 2 : i32
        %parallel_loop3A_495 = arith.index_cast %parallel_loop3A_494 : i32 to index
        %parallel_loop3A_496 = arith.index_cast %parallel_loop3A_493 : i32 to index
        %parallel_loop3A_497 = tpu.vector_load %arg9[%parallel_loop3A_495, %parallel_loop3A_496] {strides = array<i32>} : memref<8x3328xf32, #tpu.memory_space<vmem>>, vector<16xf32>,
        %parallel_loop3A_498 = arith.constant 16 : i32
        %parallel_loop3A_499 = arith.muli %parallel_loop3A_475, %parallel_loop3A_498 : i32
        %parallel_loop3A_500 = arith.constant 3 : i32
        %parallel_loop3A_501 = arith.index_cast %parallel_loop3A_500 : i32 to index
        %parallel_loop3A_502 = arith.index_cast %parallel_loop3A_499 : i32 to index
        %parallel_loop3A_503 = tpu.vector_load %arg9[%parallel_loop3A_501, %parallel_loop3A_502] {strides = array<i32>} : memref<8x3328xf32, #tpu.memory_space<vmem>>, vector<16xf32>,
        %parallel_loop3A_504 = arith.constant 16 : i32
        %parallel_loop3A_505 = arith.muli %parallel_loop3A_475, %parallel_loop3A_504 : i32
        %parallel_loop3A_506 = arith.constant 4 : i32
        %parallel_loop3A_507 = arith.index_cast %parallel_loop3A_506 : i32 to index
        %parallel_loop3A_508 = arith.index_cast %parallel_loop3A_505 : i32 to index
        %parallel_loop3A_509 = tpu.vector_load %arg9[%parallel_loop3A_507, %parallel_loop3A_508] {strides = array<i32>} : memref<8x3328xf32, #tpu.memory_space<vmem>>, vector<16xf32>,
        %parallel_loop3A_510 = arith.constant 16 : i32
        %parallel_loop3A_511 = arith.muli %parallel_loop3A_475, %parallel_loop3A_510 : i32
        %parallel_loop3A_512 = arith.constant 5 : i32
        %parallel_loop3A_513 = arith.index_cast %parallel_loop3A_512 : i32 to index
        %parallel_loop3A_514 = arith.index_cast %parallel_loop3A_511 : i32 to index
        %parallel_loop3A_515 = tpu.vector_load %arg9[%parallel_loop3A_513, %parallel_loop3A_514] {strides = array<i32>} : memref<8x3328xf32, #tpu.memory_space<vmem>>, vector<16xf32>,
        %parallel_loop3A_516 = arith.constant 16 : i32
        %parallel_loop3A_517 = arith.muli %parallel_loop3A_475, %parallel_loop3A_516 : i32
        %parallel_loop3A_518 = arith.constant 6 : i32
        %parallel_loop3A_519 = arith.index_cast %parallel_loop3A_518 : i32 to index
        %parallel_loop3A_520 = arith.index_cast %parallel_loop3A_517 : i32 to index
        %parallel_loop3A_521 = tpu.vector_load %arg9[%parallel_loop3A_519, %parallel_loop3A_520] {strides = array<i32>} : memref<8x3328xf32, #tpu.memory_space<vmem>>, vector<16xf32>,
        %parallel_loop3A_522 = arith.constant 16 : i32
        %parallel_loop3A_523 = arith.muli %parallel_loop3A_475, %parallel_loop3A_522 : i32
        %parallel_loop3A_524 = arith.constant 7 : i32
        %parallel_loop3A_525 = arith.index_cast %parallel_loop3A_524 : i32 to index
        %parallel_loop3A_526 = arith.index_cast %parallel_loop3A_523 : i32 to index
        %parallel_loop3A_527 = tpu.vector_load %arg9[%parallel_loop3A_525, %parallel_loop3A_526] {strides = array<i32>} : memref<8x3328xf32, #tpu.memory_space<vmem>>, vector<16xf32>,
        tpu.vector_store_idx %arg7[%broadcast_in_dim3A_416, %parallel_loop3A_479], %parallel_loop3A_485 {add = true} : memref<128x144xf32, #tpu.memory_space<vmem>>[vector<16xi32>, vector<16xi32>], vector<16xf32>,
        tpu.vector_store_idx %arg7[%broadcast_in_dim3A_421, %parallel_loop3A_479], %parallel_loop3A_491 {add = true} : memref<128x144xf32, #tpu.memory_space<vmem>>[vector<16xi32>, vector<16xi32>], vector<16xf32>,
        tpu.vector_store_idx %arg7[%broadcast_in_dim3A_426, %parallel_loop3A_479], %parallel_loop3A_497 {add = true} : memref<128x144xf32, #tpu.memory_space<vmem>>[vector<16xi32>, vector<16xi32>], vector<16xf32>,
        tpu.vector_store_idx %arg7[%broadcast_in_dim3A_431, %parallel_loop3A_479], %parallel_loop3A_503 {add = true} : memref<128x144xf32, #tpu.memory_space<vmem>>[vector<16xi32>, vector<16xi32>], vector<16xf32>,
        tpu.vector_store_idx %arg7[%broadcast_in_dim3A_436, %parallel_loop3A_479], %parallel_loop3A_509 {add = true} : memref<128x144xf32, #tpu.memory_space<vmem>>[vector<16xi32>, vector<16xi32>], vector<16xf32>,
        tpu.vector_store_idx %arg7[%broadcast_in_dim3A_441, %parallel_loop3A_479], %parallel_loop3A_515 {add = true} : memref<128x144xf32, #tpu.memory_space<vmem>>[vector<16xi32>, vector<16xi32>], vector<16xf32>,
        tpu.vector_store_idx %arg7[%broadcast_in_dim3A_446, %parallel_loop3A_479], %parallel_loop3A_521 {add = true} : memref<128x144xf32, #tpu.memory_space<vmem>>[vector<16xi32>, vector<16xi32>], vector<16xf32>,
        tpu.vector_store_idx %arg7[%broadcast_in_dim3A_451, %parallel_loop3A_479], %parallel_loop3A_527 {add = true} : memref<128x144xf32, #tpu.memory_space<vmem>>[vector<16xi32>, vector<16xi32>], vector<16xf32>,
      } {sc.loop_unroll_factor = 2 : i64, sc.parallel_access}
      %add3A_455 = arith.constant 2 : i32
      %add3A_456 = arith.addi %add3A_405, %add3A_455 : i32
      %mul3A_457 = arith.constant 8 : i32
      %mul3A_458 = arith.muli %add3A_456, %mul3A_457 : i32
      %dma_start3A_459 = tpu.memref_slice %arg2[%mul3A_458, %mul3A_2] : memref<128x262144xf32, #tpu.memory_space<hbm>> -> memref<8x3328xf32, #tpu.memory_space<hbm>>
      %dma_start3A_460 = tpu.memref_slice %arg2[%mul3A_458, %mul3A_2] : memref<128x262144xf32, #tpu.memory_space<hbm>> -> memref<8x3328xf32, #tpu.memory_space<hbm>>
      tpu.enqueue_dma source(%dma_start3A_460 : memref<8x3328xf32, #tpu.memory_space<hbm>>) target(%arg9 : memref<8x3328xf32, #tpu.memory_space<vmem>>) target_semaphore(%arg11 : memref<!tpu.dma_semaphore, #tpu.memory_space<semaphore_mem>>)
      %mul3A_461 = arith.constant 8 : i32
      %mul3A_462 = arith.muli %add3A_405, %mul3A_461 : i32
      %mul3A_463 = arith.constant 8 : i32
      %mul3A_464 = arith.muli %add3A_405, %mul3A_463 : i32
      %dma_start3A_465 = arith.constant 0 : i32
      %dma_start3A_466 = tpu.memref_slice %arg7[%mul3A_462, %dma_start3A_465] : memref<128x144xf32, #tpu.memory_space<vmem>> -> memref<8x144xf32, #tpu.memory_space<vmem>>
      %dma_start3A_467 = arith.constant 0 : i32
      %dma_start3A_468 = tpu.memref_slice %arg4[%add3A, %mul3A_464, %dma_start3A_467] : memref<32x128x144xf32, #tpu.memory_space<hbm>> -> memref<1x8x144xf32, #tpu.memory_space<hbm>>
      %dma_start3A_469 = tpu.memref_squeeze %dma_start3A_468 : memref<1x8x144xf32, #tpu.memory_space<hbm>> -> memref<8x144xf32, #tpu.memory_space<hbm>>
      %dma_start3A_470 = arith.constant 0 : i32
      %dma_start3A_471 = tpu.memref_slice %arg4[%add3A, %mul3A_464, %dma_start3A_470] : memref<32x128x144xf32, #tpu.memory_space<hbm>> -> memref<1x8x144xf32, #tpu.memory_space<hbm>>
      %dma_start3A_472 = tpu.memref_squeeze %dma_start3A_471 : memref<1x8x144xf32, #tpu.memory_space<hbm>> -> memref<8x144xf32, #tpu.memory_space<hbm>>
      %dma_start3A_473 = arith.constant 0 : i32
      %dma_start3A_474 = tpu.memref_slice %arg7[%mul3A_462, %dma_start3A_473] : memref<128x144xf32, #tpu.memory_space<vmem>> -> memref<8x144xf32, #tpu.memory_space<vmem>>
      tpu.enqueue_dma source(%dma_start3A_474 : memref<8x144xf32, #tpu.memory_space<vmem>>) target(%dma_start3A_472 : memref<8x144xf32, #tpu.memory_space<hbm>>) target_semaphore(%arg12 : memref<!tpu.dma_semaphore, #tpu.memory_space<semaphore_mem>>)
    }
    %scan3A_27 = arith.constant 7 : i32
    %dma_wait3A = arith.constant 0 : i32
    %dma_wait3A_28 = arith.constant 0 : i32
    %dma_wait3A_29 = tpu.memref_slice %arg2[%dma_wait3A, %dma_wait3A_28] : memref<128x262144xf32, #tpu.memory_space<hbm>> -> memref<8x3328xf32, #tpu.memory_space<hbm>>
    %dma_wait3A_30 = arith.constant 0 : i32
    %dma_wait3A_31 = arith.constant 0 : i32
    %dma_wait3A_32 = tpu.memref_slice %arg2[%dma_wait3A_30, %dma_wait3A_31] : memref<128x262144xf32, #tpu.memory_space<hbm>> -> memref<8x3328xf32, #tpu.memory_space<hbm>>
    tpu.wait_dma2 semaphore(%arg10 : memref<!tpu.dma_semaphore, #tpu.memory_space<semaphore_mem>>) src(%dma_wait3A_32 : memref<8x3328xf32, #tpu.memory_space<hbm>>) dst(%arg8 : memref<8x3328xf32, #tpu.memory_space<vmem>>)
    %broadcast_in_dim3A_33 = arith.constant 112 : i32
    %broadcast_in_dim3A_34 = vector.broadcast %broadcast_in_dim3A_33 : i32 to vector<16xi32>
    %broadcast_in_dim3A_35 = arith.constant 113 : i32
    %broadcast_in_dim3A_36 = vector.broadcast %broadcast_in_dim3A_35 : i32 to vector<16xi32>
    %broadcast_in_dim3A_37 = arith.constant 114 : i32
    %broadcast_in_dim3A_38 = vector.broadcast %broadcast_in_dim3A_37 : i32 to vector<16xi32>
    %broadcast_in_dim3A_39 = arith.constant 115 : i32
    %broadcast_in_dim3A_40 = vector.broadcast %broadcast_in_dim3A_39 : i32 to vector<16xi32>
    %broadcast_in_dim3A_41 = arith.constant 116 : i32
    %broadcast_in_dim3A_42 = vector.broadcast %broadcast_in_dim3A_41 : i32 to vector<16xi32>
    %broadcast_in_dim3A_43 = arith.constant 117 : i32
    %broadcast_in_dim3A_44 = vector.broadcast %broadcast_in_dim3A_43 : i32 to vector<16xi32>
    %broadcast_in_dim3A_45 = arith.constant 118 : i32
    %broadcast_in_dim3A_46 = vector.broadcast %broadcast_in_dim3A_45 : i32 to vector<16xi32>
    %broadcast_in_dim3A_47 = arith.constant 119 : i32
    %broadcast_in_dim3A_48 = vector.broadcast %broadcast_in_dim3A_47 : i32 to vector<16xi32>
    %parallel_loop3A = arith.constant 0 : i32
    %parallel_loop3A_49 = arith.constant 208 : i32
    %parallel_loop3A_50 = arith.constant 1 : i32
    scf.for %parallel_loop3A_328 = %parallel_loop3A to %parallel_loop3A_49 step %parallel_loop3A_50  : i32 {
      %parallel_loop3A_329 = arith.constant 16 : i32
      %parallel_loop3A_330 = arith.muli %parallel_loop3A_328, %parallel_loop3A_329 : i32
      %parallel_loop3A_331 = arith.index_cast %parallel_loop3A_330 : i32 to index
      %parallel_loop3A_332 = tpu.vector_load %arg6[%parallel_loop3A_331] {strides = array<i32>} : memref<3328xi32, #tpu.memory_space<vmem>>, vector<16xi32>,
      %parallel_loop3A_333 = arith.constant 16 : i32
      %parallel_loop3A_334 = arith.muli %parallel_loop3A_328, %parallel_loop3A_333 : i32
      %parallel_loop3A_335 = arith.constant 0 : i32
      %parallel_loop3A_336 = arith.index_cast %parallel_loop3A_335 : i32 to index
      %parallel_loop3A_337 = arith.index_cast %parallel_loop3A_334 : i32 to index
      %parallel_loop3A_338 = tpu.vector_load %arg8[%parallel_loop3A_336, %parallel_loop3A_337] {strides = array<i32>} : memref<8x3328xf32, #tpu.memory_space<vmem>>, vector<16xf32>,
      %parallel_loop3A_339 = arith.constant 16 : i32
      %parallel_loop3A_340 = arith.muli %parallel_loop3A_328, %parallel_loop3A_339 : i32
      %parallel_loop3A_341 = arith.constant 1 : i32
      %parallel_loop3A_342 = arith.index_cast %parallel_loop3A_341 : i32 to index
      %parallel_loop3A_343 = arith.index_cast %parallel_loop3A_340 : i32 to index
      %parallel_loop3A_344 = tpu.vector_load %arg8[%parallel_loop3A_342, %parallel_loop3A_343] {strides = array<i32>} : memref<8x3328xf32, #tpu.memory_space<vmem>>, vector<16xf32>,
      %parallel_loop3A_345 = arith.constant 16 : i32
      %parallel_loop3A_346 = arith.muli %parallel_loop3A_328, %parallel_loop3A_345 : i32
      %parallel_loop3A_347 = arith.constant 2 : i32
      %parallel_loop3A_348 = arith.index_cast %parallel_loop3A_347 : i32 to index
      %parallel_loop3A_349 = arith.index_cast %parallel_loop3A_346 : i32 to index
      %parallel_loop3A_350 = tpu.vector_load %arg8[%parallel_loop3A_348, %parallel_loop3A_349] {strides = array<i32>} : memref<8x3328xf32, #tpu.memory_space<vmem>>, vector<16xf32>,
      %parallel_loop3A_351 = arith.constant 16 : i32
      %parallel_loop3A_352 = arith.muli %parallel_loop3A_328, %parallel_loop3A_351 : i32
      %parallel_loop3A_353 = arith.constant 3 : i32
      %parallel_loop3A_354 = arith.index_cast %parallel_loop3A_353 : i32 to index
      %parallel_loop3A_355 = arith.index_cast %parallel_loop3A_352 : i32 to index
      %parallel_loop3A_356 = tpu.vector_load %arg8[%parallel_loop3A_354, %parallel_loop3A_355] {strides = array<i32>} : memref<8x3328xf32, #tpu.memory_space<vmem>>, vector<16xf32>,
      %parallel_loop3A_357 = arith.constant 16 : i32
      %parallel_loop3A_358 = arith.muli %parallel_loop3A_328, %parallel_loop3A_357 : i32
      %parallel_loop3A_359 = arith.constant 4 : i32
      %parallel_loop3A_360 = arith.index_cast %parallel_loop3A_359 : i32 to index
      %parallel_loop3A_361 = arith.index_cast %parallel_loop3A_358 : i32 to index
      %parallel_loop3A_362 = tpu.vector_load %arg8[%parallel_loop3A_360, %parallel_loop3A_361] {strides = array<i32>} : memref<8x3328xf32, #tpu.memory_space<vmem>>, vector<16xf32>,
      %parallel_loop3A_363 = arith.constant 16 : i32
      %parallel_loop3A_364 = arith.muli %parallel_loop3A_328, %parallel_loop3A_363 : i32
      %parallel_loop3A_365 = arith.constant 5 : i32
      %parallel_loop3A_366 = arith.index_cast %parallel_loop3A_365 : i32 to index
      %parallel_loop3A_367 = arith.index_cast %parallel_loop3A_364 : i32 to index
      %parallel_loop3A_368 = tpu.vector_load %arg8[%parallel_loop3A_366, %parallel_loop3A_367] {strides = array<i32>} : memref<8x3328xf32, #tpu.memory_space<vmem>>, vector<16xf32>,
      %parallel_loop3A_369 = arith.constant 16 : i32
      %parallel_loop3A_370 = arith.muli %parallel_loop3A_328, %parallel_loop3A_369 : i32
      %parallel_loop3A_371 = arith.constant 6 : i32
      %parallel_loop3A_372 = arith.index_cast %parallel_loop3A_371 : i32 to index
      %parallel_loop3A_373 = arith.index_cast %parallel_loop3A_370 : i32 to index
      %parallel_loop3A_374 = tpu.vector_load %arg8[%parallel_loop3A_372, %parallel_loop3A_373] {strides = array<i32>} : memref<8x3328xf32, #tpu.memory_space<vmem>>, vector<16xf32>,
      %parallel_loop3A_375 = arith.constant 16 : i32
      %parallel_loop3A_376 = arith.muli %parallel_loop3A_328, %parallel_loop3A_375 : i32
      %parallel_loop3A_377 = arith.constant 7 : i32
      %parallel_loop3A_378 = arith.index_cast %parallel_loop3A_377 : i32 to index
      %parallel_loop3A_379 = arith.index_cast %parallel_loop3A_376 : i32 to index
      %parallel_loop3A_380 = tpu.vector_load %arg8[%parallel_loop3A_378, %parallel_loop3A_379] {strides = array<i32>} : memref<8x3328xf32, #tpu.memory_space<vmem>>, vector<16xf32>,
      tpu.vector_store_idx %arg7[%broadcast_in_dim3A_34, %parallel_loop3A_332], %parallel_loop3A_338 {add = true} : memref<128x144xf32, #tpu.memory_space<vmem>>[vector<16xi32>, vector<16xi32>], vector<16xf32>,
      tpu.vector_store_idx %arg7[%broadcast_in_dim3A_36, %parallel_loop3A_332], %parallel_loop3A_344 {add = true} : memref<128x144xf32, #tpu.memory_space<vmem>>[vector<16xi32>, vector<16xi32>], vector<16xf32>,
      tpu.vector_store_idx %arg7[%broadcast_in_dim3A_38, %parallel_loop3A_332], %parallel_loop3A_350 {add = true} : memref<128x144xf32, #tpu.memory_space<vmem>>[vector<16xi32>, vector<16xi32>], vector<16xf32>,
      tpu.vector_store_idx %arg7[%broadcast_in_dim3A_40, %parallel_loop3A_332], %parallel_loop3A_356 {add = true} : memref<128x144xf32, #tpu.memory_space<vmem>>[vector<16xi32>, vector<16xi32>], vector<16xf32>,
      tpu.vector_store_idx %arg7[%broadcast_in_dim3A_42, %parallel_loop3A_332], %parallel_loop3A_362 {add = true} : memref<128x144xf32, #tpu.memory_space<vmem>>[vector<16xi32>, vector<16xi32>], vector<16xf32>,
      tpu.vector_store_idx %arg7[%broadcast_in_dim3A_44, %parallel_loop3A_332], %parallel_loop3A_368 {add = true} : memref<128x144xf32, #tpu.memory_space<vmem>>[vector<16xi32>, vector<16xi32>], vector<16xf32>,
      tpu.vector_store_idx %arg7[%broadcast_in_dim3A_46, %parallel_loop3A_332], %parallel_loop3A_374 {add = true} : memref<128x144xf32, #tpu.memory_space<vmem>>[vector<16xi32>, vector<16xi32>], vector<16xf32>,
      tpu.vector_store_idx %arg7[%broadcast_in_dim3A_48, %parallel_loop3A_332], %parallel_loop3A_380 {add = true} : memref<128x144xf32, #tpu.memory_space<vmem>>[vector<16xi32>, vector<16xi32>], vector<16xf32>,
    } {sc.loop_unroll_factor = 2 : i64, sc.parallel_access}
    %dma_start3A_51 = arith.constant 112 : i32
    %dma_start3A_52 = arith.constant 0 : i32
    %dma_start3A_53 = tpu.memref_slice %arg7[%dma_start3A_51, %dma_start3A_52] : memref<128x144xf32, #tpu.memory_space<vmem>> -> memref<8x144xf32, #tpu.memory_space<vmem>>
    %dma_start3A_54 = arith.constant 112 : i32
    %dma_start3A_55 = arith.constant 0 : i32
    %dma_start3A_56 = tpu.memref_slice %arg4[%add3A, %dma_start3A_54, %dma_start3A_55] : memref<32x128x144xf32, #tpu.memory_space<hbm>> -> memref<1x8x144xf32, #tpu.memory_space<hbm>>
    %dma_start3A_57 = tpu.memref_squeeze %dma_start3A_56 : memref<1x8x144xf32, #tpu.memory_space<hbm>> -> memref<8x144xf32, #tpu.memory_space<hbm>>
    %dma_start3A_58 = arith.constant 112 : i32
    %dma_start3A_59 = arith.constant 0 : i32
    %dma_start3A_60 = tpu.memref_slice %arg4[%add3A, %dma_start3A_58, %dma_start3A_59] : memref<32x128x144xf32, #tpu.memory_space<hbm>> -> memref<1x8x144xf32, #tpu.memory_space<hbm>>
    %dma_start3A_61 = tpu.memref_squeeze %dma_start3A_60 : memref<1x8x144xf32, #tpu.memory_space<hbm>> -> memref<8x144xf32, #tpu.memory_space<hbm>>
    %dma_start3A_62 = arith.constant 112 : i32
    %dma_start3A_63 = arith.constant 0 : i32
    %dma_start3A_64 = tpu.memref_slice %arg7[%dma_start3A_62, %dma_start3A_63] : memref<128x144xf32, #tpu.memory_space<vmem>> -> memref<8x144xf32, #tpu.memory_space<vmem>>
    tpu.enqueue_dma source(%dma_start3A_64 : memref<8x144xf32, #tpu.memory_space<vmem>>) target(%dma_start3A_61 : memref<8x144xf32, #tpu.memory_space<hbm>>) target_semaphore(%arg12 : memref<!tpu.dma_semaphore, #tpu.memory_space<semaphore_mem>>)
    %dma_wait3A_65 = arith.constant 0 : i32
    %dma_wait3A_66 = arith.constant 0 : i32
    %dma_wait3A_67 = tpu.memref_slice %arg2[%dma_wait3A_65, %dma_wait3A_66] : memref<128x262144xf32, #tpu.memory_space<hbm>> -> memref<8x3328xf32, #tpu.memory_space<hbm>>
    %dma_wait3A_68 = arith.constant 0 : i32
    %dma_wait3A_69 = arith.constant 0 : i32
    %dma_wait3A_70 = tpu.memref_slice %arg2[%dma_wait3A_68, %dma_wait3A_69] : memref<128x262144xf32, #tpu.memory_space<hbm>> -> memref<8x3328xf32, #tpu.memory_space<hbm>>
    tpu.wait_dma2 semaphore(%arg11 : memref<!tpu.dma_semaphore, #tpu.memory_space<semaphore_mem>>) src(%dma_wait3A_70 : memref<8x3328xf32, #tpu.memory_space<hbm>>) dst(%arg9 : memref<8x3328xf32, #tpu.memory_space<vmem>>)
    %broadcast_in_dim3A_71 = arith.constant 120 : i32
    %broadcast_in_dim3A_72 = vector.broadcast %broadcast_in_dim3A_71 : i32 to vector<16xi32>
    %broadcast_in_dim3A_73 = arith.constant 121 : i32
    %broadcast_in_dim3A_74 = vector.broadcast %broadcast_in_dim3A_73 : i32 to vector<16xi32>
    %broadcast_in_dim3A_75 = arith.constant 122 : i32
    %broadcast_in_dim3A_76 = vector.broadcast %broadcast_in_dim3A_75 : i32 to vector<16xi32>
    %broadcast_in_dim3A_77 = arith.constant 123 : i32
    %broadcast_in_dim3A_78 = vector.broadcast %broadcast_in_dim3A_77 : i32 to vector<16xi32>
    %broadcast_in_dim3A_79 = arith.constant 124 : i32
    %broadcast_in_dim3A_80 = vector.broadcast %broadcast_in_dim3A_79 : i32 to vector<16xi32>
    %broadcast_in_dim3A_81 = arith.constant 125 : i32
    %broadcast_in_dim3A_82 = vector.broadcast %broadcast_in_dim3A_81 : i32 to vector<16xi32>
    %broadcast_in_dim3A_83 = arith.constant 126 : i32
    %broadcast_in_dim3A_84 = vector.broadcast %broadcast_in_dim3A_83 : i32 to vector<16xi32>
    %broadcast_in_dim3A_85 = arith.constant 127 : i32
    %broadcast_in_dim3A_86 = vector.broadcast %broadcast_in_dim3A_85 : i32 to vector<16xi32>
    %parallel_loop3A_87 = arith.constant 0 : i32
    %parallel_loop3A_88 = arith.constant 208 : i32
    %parallel_loop3A_89 = arith.constant 1 : i32
    scf.for %parallel_loop3A_328 = %parallel_loop3A_87 to %parallel_loop3A_88 step %parallel_loop3A_89  : i32 {
      %parallel_loop3A_329 = arith.constant 16 : i32
      %parallel_loop3A_330 = arith.muli %parallel_loop3A_328, %parallel_loop3A_329 : i32
      %parallel_loop3A_331 = arith.index_cast %parallel_loop3A_330 : i32 to index
      %parallel_loop3A_332 = tpu.vector_load %arg6[%parallel_loop3A_331] {strides = array<i32>} : memref<3328xi32, #tpu.memory_space<vmem>>, vector<16xi32>,
      %parallel_loop3A_333 = arith.constant 16 : i32
      %parallel_loop3A_334 = arith.muli %parallel_loop3A_328, %parallel_loop3A_333 : i32
      %parallel_loop3A_335 = arith.constant 0 : i32
      %parallel_loop3A_336 = arith.index_cast %parallel_loop3A_335 : i32 to index
      %parallel_loop3A_337 = arith.index_cast %parallel_loop3A_334 : i32 to index
      %parallel_loop3A_338 = tpu.vector_load %arg9[%parallel_loop3A_336, %parallel_loop3A_337] {strides = array<i32>} : memref<8x3328xf32, #tpu.memory_space<vmem>>, vector<16xf32>,
      %parallel_loop3A_339 = arith.constant 16 : i32
      %parallel_loop3A_340 = arith.muli %parallel_loop3A_328, %parallel_loop3A_339 : i32
      %parallel_loop3A_341 = arith.constant 1 : i32
      %parallel_loop3A_342 = arith.index_cast %parallel_loop3A_341 : i32 to index
      %parallel_loop3A_343 = arith.index_cast %parallel_loop3A_340 : i32 to index
      %parallel_loop3A_344 = tpu.vector_load %arg9[%parallel_loop3A_342, %parallel_loop3A_343] {strides = array<i32>} : memref<8x3328xf32, #tpu.memory_space<vmem>>, vector<16xf32>,
      %parallel_loop3A_345 = arith.constant 16 : i32
      %parallel_loop3A_346 = arith.muli %parallel_loop3A_328, %parallel_loop3A_345 : i32
      %parallel_loop3A_347 = arith.constant 2 : i32
      %parallel_loop3A_348 = arith.index_cast %parallel_loop3A_347 : i32 to index
      %parallel_loop3A_349 = arith.index_cast %parallel_loop3A_346 : i32 to index
      %parallel_loop3A_350 = tpu.vector_load %arg9[%parallel_loop3A_348, %parallel_loop3A_349] {strides = array<i32>} : memref<8x3328xf32, #tpu.memory_space<vmem>>, vector<16xf32>,
      %parallel_loop3A_351 = arith.constant 16 : i32
      %parallel_loop3A_352 = arith.muli %parallel_loop3A_328, %parallel_loop3A_351 : i32
      %parallel_loop3A_353 = arith.constant 3 : i32
      %parallel_loop3A_354 = arith.index_cast %parallel_loop3A_353 : i32 to index
      %parallel_loop3A_355 = arith.index_cast %parallel_loop3A_352 : i32 to index
      %parallel_loop3A_356 = tpu.vector_load %arg9[%parallel_loop3A_354, %parallel_loop3A_355] {strides = array<i32>} : memref<8x3328xf32, #tpu.memory_space<vmem>>, vector<16xf32>,
      %parallel_loop3A_357 = arith.constant 16 : i32
      %parallel_loop3A_358 = arith.muli %parallel_loop3A_328, %parallel_loop3A_357 : i32
      %parallel_loop3A_359 = arith.constant 4 : i32
      %parallel_loop3A_360 = arith.index_cast %parallel_loop3A_359 : i32 to index
      %parallel_loop3A_361 = arith.index_cast %parallel_loop3A_358 : i32 to index
      %parallel_loop3A_362 = tpu.vector_load %arg9[%parallel_loop3A_360, %parallel_loop3A_361] {strides = array<i32>} : memref<8x3328xf32, #tpu.memory_space<vmem>>, vector<16xf32>,
      %parallel_loop3A_363 = arith.constant 16 : i32
      %parallel_loop3A_364 = arith.muli %parallel_loop3A_328, %parallel_loop3A_363 : i32
      %parallel_loop3A_365 = arith.constant 5 : i32
      %parallel_loop3A_366 = arith.index_cast %parallel_loop3A_365 : i32 to index
      %parallel_loop3A_367 = arith.index_cast %parallel_loop3A_364 : i32 to index
      %parallel_loop3A_368 = tpu.vector_load %arg9[%parallel_loop3A_366, %parallel_loop3A_367] {strides = array<i32>} : memref<8x3328xf32, #tpu.memory_space<vmem>>, vector<16xf32>,
      %parallel_loop3A_369 = arith.constant 16 : i32
      %parallel_loop3A_370 = arith.muli %parallel_loop3A_328, %parallel_loop3A_369 : i32
      %parallel_loop3A_371 = arith.constant 6 : i32
      %parallel_loop3A_372 = arith.index_cast %parallel_loop3A_371 : i32 to index
      %parallel_loop3A_373 = arith.index_cast %parallel_loop3A_370 : i32 to index
      %parallel_loop3A_374 = tpu.vector_load %arg9[%parallel_loop3A_372, %parallel_loop3A_373] {strides = array<i32>} : memref<8x3328xf32, #tpu.memory_space<vmem>>, vector<16xf32>,
      %parallel_loop3A_375 = arith.constant 16 : i32
      %parallel_loop3A_376 = arith.muli %parallel_loop3A_328, %parallel_loop3A_375 : i32
      %parallel_loop3A_377 = arith.constant 7 : i32
      %parallel_loop3A_378 = arith.index_cast %parallel_loop3A_377 : i32 to index
      %parallel_loop3A_379 = arith.index_cast %parallel_loop3A_376 : i32 to index
      %parallel_loop3A_380 = tpu.vector_load %arg9[%parallel_loop3A_378, %parallel_loop3A_379] {strides = array<i32>} : memref<8x3328xf32, #tpu.memory_space<vmem>>, vector<16xf32>,
      tpu.vector_store_idx %arg7[%broadcast_in_dim3A_72, %parallel_loop3A_332], %parallel_loop3A_338 {add = true} : memref<128x144xf32, #tpu.memory_space<vmem>>[vector<16xi32>, vector<16xi32>], vector<16xf32>,
      tpu.vector_store_idx %arg7[%broadcast_in_dim3A_74, %parallel_loop3A_332], %parallel_loop3A_344 {add = true} : memref<128x144xf32, #tpu.memory_space<vmem>>[vector<16xi32>, vector<16xi32>], vector<16xf32>,
      tpu.vector_store_idx %arg7[%broadcast_in_dim3A_76, %parallel_loop3A_332], %parallel_loop3A_350 {add = true} : memref<128x144xf32, #tpu.memory_space<vmem>>[vector<16xi32>, vector<16xi32>], vector<16xf32>,
      tpu.vector_store_idx %arg7[%broadcast_in_dim3A_78, %parallel_loop3A_332], %parallel_loop3A_356 {add = true} : memref<128x144xf32, #tpu.memory_space<vmem>>[vector<16xi32>, vector<16xi32>], vector<16xf32>,
      tpu.vector_store_idx %arg7[%broadcast_in_dim3A_80, %parallel_loop3A_332], %parallel_loop3A_362 {add = true} : memref<128x144xf32, #tpu.memory_space<vmem>>[vector<16xi32>, vector<16xi32>], vector<16xf32>,
      tpu.vector_store_idx %arg7[%broadcast_in_dim3A_82, %parallel_loop3A_332], %parallel_loop3A_368 {add = true} : memref<128x144xf32, #tpu.memory_space<vmem>>[vector<16xi32>, vector<16xi32>], vector<16xf32>,
      tpu.vector_store_idx %arg7[%broadcast_in_dim3A_84, %parallel_loop3A_332], %parallel_loop3A_374 {add = true} : memref<128x144xf32, #tpu.memory_space<vmem>>[vector<16xi32>, vector<16xi32>], vector<16xf32>,
      tpu.vector_store_idx %arg7[%broadcast_in_dim3A_86, %parallel_loop3A_332], %parallel_loop3A_380 {add = true} : memref<128x144xf32, #tpu.memory_space<vmem>>[vector<16xi32>, vector<16xi32>], vector<16xf32>,
    } {sc.loop_unroll_factor = 2 : i64, sc.parallel_access}
    %dma_start3A_90 = arith.constant 120 : i32
    %dma_start3A_91 = arith.constant 0 : i32
    %dma_start3A_92 = tpu.memref_slice %arg7[%dma_start3A_90, %dma_start3A_91] : memref<128x144xf32, #tpu.memory_space<vmem>> -> memref<8x144xf32, #tpu.memory_space<vmem>>
    %dma_start3A_93 = arith.constant 120 : i32
    %dma_start3A_94 = arith.constant 0 : i32
    %dma_start3A_95 = tpu.memref_slice %arg4[%add3A, %dma_start3A_93, %dma_start3A_94] : memref<32x128x144xf32, #tpu.memory_space<hbm>> -> memref<1x8x144xf32, #tpu.memory_space<hbm>>
    %dma_start3A_96 = tpu.memref_squeeze %dma_start3A_95 : memref<1x8x144xf32, #tpu.memory_space<hbm>> -> memref<8x144xf32, #tpu.memory_space<hbm>>
    %dma_start3A_97 = arith.constant 120 : i32
    %dma_start3A_98 = arith.constant 0 : i32
    %dma_start3A_99 = tpu.memref_slice %arg4[%add3A, %dma_start3A_97, %dma_start3A_98] : memref<32x128x144xf32, #tpu.memory_space<hbm>> -> memref<1x8x144xf32, #tpu.memory_space<hbm>>
    %dma_start3A_100 = tpu.memref_squeeze %dma_start3A_99 : memref<1x8x144xf32, #tpu.memory_space<hbm>> -> memref<8x144xf32, #tpu.memory_space<hbm>>
    %dma_start3A_101 = arith.constant 120 : i32
    %dma_start3A_102 = arith.constant 0 : i32
    %dma_start3A_103 = tpu.memref_slice %arg7[%dma_start3A_101, %dma_start3A_102] : memref<128x144xf32, #tpu.memory_space<vmem>> -> memref<8x144xf32, #tpu.memory_space<vmem>>
    tpu.enqueue_dma source(%dma_start3A_103 : memref<8x144xf32, #tpu.memory_space<vmem>>) target(%dma_start3A_100 : memref<8x144xf32, #tpu.memory_space<hbm>>) target_semaphore(%arg12 : memref<!tpu.dma_semaphore, #tpu.memory_space<semaphore_mem>>)
    %dma_wait3A_104 = arith.constant 0 : i32
    %dma_wait3A_105 = arith.constant 0 : i32
    %dma_wait3A_106 = tpu.memref_slice %arg7[%dma_wait3A_104, %dma_wait3A_105] : memref<128x144xf32, #tpu.memory_space<vmem>> -> memref<8x144xf32, #tpu.memory_space<vmem>>
    %dma_wait3A_107 = arith.constant 0 : i32
    %dma_wait3A_108 = arith.constant 0 : i32
    %dma_wait3A_109 = tpu.memref_slice %arg4[%add3A, %dma_wait3A_107, %dma_wait3A_108] : memref<32x128x144xf32, #tpu.memory_space<hbm>> -> memref<1x8x144xf32, #tpu.memory_space<hbm>>
    %dma_wait3A_110 = tpu.memref_squeeze %dma_wait3A_109 : memref<1x8x144xf32, #tpu.memory_space<hbm>> -> memref<8x144xf32, #tpu.memory_space<hbm>>
    %dma_wait3A_111 = arith.constant 0 : i32
    %dma_wait3A_112 = arith.constant 0 : i32
    %dma_wait3A_113 = tpu.memref_slice %arg4[%add3A, %dma_wait3A_111, %dma_wait3A_112] : memref<32x128x144xf32, #tpu.memory_space<hbm>> -> memref<1x8x144xf32, #tpu.memory_space<hbm>>
    %dma_wait3A_114 = tpu.memref_squeeze %dma_wait3A_113 : memref<1x8x144xf32, #tpu.memory_space<hbm>> -> memref<8x144xf32, #tpu.memory_space<hbm>>
    %dma_wait3A_115 = arith.constant 0 : i32
    %dma_wait3A_116 = arith.constant 0 : i32
    %dma_wait3A_117 = tpu.memref_slice %arg7[%dma_wait3A_115, %dma_wait3A_116] : memref<128x144xf32, #tpu.memory_space<vmem>> -> memref<8x144xf32, #tpu.memory_space<vmem>>
    tpu.wait_dma2 semaphore(%arg12 : memref<!tpu.dma_semaphore, #tpu.memory_space<semaphore_mem>>) src(%dma_wait3A_117 : memref<8x144xf32, #tpu.memory_space<vmem>>) dst(%dma_wait3A_114 : memref<8x144xf32, #tpu.memory_space<hbm>>)
    %dma_wait3A_118 = arith.constant 0 : i32
    %dma_wait3A_119 = arith.constant 0 : i32
    %dma_wait3A_120 = tpu.memref_slice %arg7[%dma_wait3A_118, %dma_wait3A_119] : memref<128x144xf32, #tpu.memory_space<vmem>> -> memref<8x144xf32, #tpu.memory_space<vmem>>
    %dma_wait3A_121 = arith.constant 0 : i32
    %dma_wait3A_122 = arith.constant 0 : i32
    %dma_wait3A_123 = tpu.memref_slice %arg4[%add3A, %dma_wait3A_121, %dma_wait3A_122] : memref<32x128x144xf32, #tpu.memory_space<hbm>> -> memref<1x8x144xf32, #tpu.memory_space<hbm>>
    %dma_wait3A_124 = tpu.memref_squeeze %dma_wait3A_123 : memref<1x8x144xf32, #tpu.memory_space<hbm>> -> memref<8x144xf32, #tpu.memory_space<hbm>>
    %dma_wait3A_125 = arith.constant 0 : i32
    %dma_wait3A_126 = arith.constant 0 : i32
    %dma_wait3A_127 = tpu.memref_slice %arg4[%add3A, %dma_wait3A_125, %dma_wait3A_126] : memref<32x128x144xf32, #tpu.memory_space<hbm>> -> memref<1x8x144xf32, #tpu.memory_space<hbm>>
    %dma_wait3A_128 = tpu.memref_squeeze %dma_wait3A_127 : memref<1x8x144xf32, #tpu.memory_space<hbm>> -> memref<8x144xf32, #tpu.memory_space<hbm>>
    %dma_wait3A_129 = arith.constant 0 : i32
    %dma_wait3A_130 = arith.constant 0 : i32
    %dma_wait3A_131 = tpu.memref_slice %arg7[%dma_wait3A_129, %dma_wait3A_130] : memref<128x144xf32, #tpu.memory_space<vmem>> -> memref<8x144xf32, #tpu.memory_space<vmem>>
    tpu.wait_dma2 semaphore(%arg12 : memref<!tpu.dma_semaphore, #tpu.memory_space<semaphore_mem>>) src(%dma_wait3A_131 : memref<8x144xf32, #tpu.memory_space<vmem>>) dst(%dma_wait3A_128 : memref<8x144xf32, #tpu.memory_space<hbm>>)
    %dma_wait3A_132 = arith.constant 0 : i32
    %dma_wait3A_133 = arith.constant 0 : i32
    %dma_wait3A_134 = tpu.memref_slice %arg7[%dma_wait3A_132, %dma_wait3A_133] : memref<128x144xf32, #tpu.memory_space<vmem>> -> memref<8x144xf32, #tpu.memory_space<vmem>>
    %dma_wait3A_135 = arith.constant 0 : i32
    %dma_wait3A_136 = arith.constant 0 : i32
    %dma_wait3A_137 = tpu.memref_slice %arg4[%add3A, %dma_wait3A_135, %dma_wait3A_136] : memref<32x128x144xf32, #tpu.memory_space<hbm>> -> memref<1x8x144xf32, #tpu.memory_space<hbm>>
    %dma_wait3A_138 = tpu.memref_squeeze %dma_wait3A_137 : memref<1x8x144xf32, #tpu.memory_space<hbm>> -> memref<8x144xf32, #tpu.memory_space<hbm>>
    %dma_wait3A_139 = arith.constant 0 : i32
    %dma_wait3A_140 = arith.constant 0 : i32
    %dma_wait3A_141 = tpu.memref_slice %arg4[%add3A, %dma_wait3A_139, %dma_wait3A_140] : memref<32x128x144xf32, #tpu.memory_space<hbm>> -> memref<1x8x144xf32, #tpu.memory_space<hbm>>
    %dma_wait3A_142 = tpu.memref_squeeze %dma_wait3A_141 : memref<1x8x144xf32, #tpu.memory_space<hbm>> -> memref<8x144xf32, #tpu.memory_space<hbm>>
    %dma_wait3A_143 = arith.constant 0 : i32
    %dma_wait3A_144 = arith.constant 0 : i32
    %dma_wait3A_145 = tpu.memref_slice %arg7[%dma_wait3A_143, %dma_wait3A_144] : memref<128x144xf32, #tpu.memory_space<vmem>> -> memref<8x144xf32, #tpu.memory_space<vmem>>
    tpu.wait_dma2 semaphore(%arg12 : memref<!tpu.dma_semaphore, #tpu.memory_space<semaphore_mem>>) src(%dma_wait3A_145 : memref<8x144xf32, #tpu.memory_space<vmem>>) dst(%dma_wait3A_142 : memref<8x144xf32, #tpu.memory_space<hbm>>)
    %dma_wait3A_146 = arith.constant 0 : i32
    %dma_wait3A_147 = arith.constant 0 : i32
    %dma_wait3A_148 = tpu.memref_slice %arg7[%dma_wait3A_146, %dma_wait3A_147] : memref<128x144xf32, #tpu.memory_space<vmem>> -> memref<8x144xf32, #tpu.memory_space<vmem>>
    %dma_wait3A_149 = arith.constant 0 : i32
    %dma_wait3A_150 = arith.constant 0 : i32
    %dma_wait3A_151 = tpu.memref_slice %arg4[%add3A, %dma_wait3A_149, %dma_wait3A_150] : memref<32x128x144xf32, #tpu.memory_space<hbm>> -> memref<1x8x144xf32, #tpu.memory_space<hbm>>
    %dma_wait3A_152 = tpu.memref_squeeze %dma_wait3A_151 : memref<1x8x144xf32, #tpu.memory_space<hbm>> -> memref<8x144xf32, #tpu.memory_space<hbm>>
    %dma_wait3A_153 = arith.constant 0 : i32
    %dma_wait3A_154 = arith.constant 0 : i32
    %dma_wait3A_155 = tpu.memref_slice %arg4[%add3A, %dma_wait3A_153, %dma_wait3A_154] : memref<32x128x144xf32, #tpu.memory_space<hbm>> -> memref<1x8x144xf32, #tpu.memory_space<hbm>>
    %dma_wait3A_156 = tpu.memref_squeeze %dma_wait3A_155 : memref<1x8x144xf32, #tpu.memory_space<hbm>> -> memref<8x144xf32, #tpu.memory_space<hbm>>
    %dma_wait3A_157 = arith.constant 0 : i32
    %dma_wait3A_158 = arith.constant 0 : i32
    %dma_wait3A_159 = tpu.memref_slice %arg7[%dma_wait3A_157, %dma_wait3A_158] : memref<128x144xf32, #tpu.memory_space<vmem>> -> memref<8x144xf32, #tpu.memory_space<vmem>>
    tpu.wait_dma2 semaphore(%arg12 : memref<!tpu.dma_semaphore, #tpu.memory_space<semaphore_mem>>) src(%dma_wait3A_159 : memref<8x144xf32, #tpu.memory_space<vmem>>) dst(%dma_wait3A_156 : memref<8x144xf32, #tpu.memory_space<hbm>>)
    %dma_wait3A_160 = arith.constant 0 : i32
    %dma_wait3A_161 = arith.constant 0 : i32
    %dma_wait3A_162 = tpu.memref_slice %arg7[%dma_wait3A_160, %dma_wait3A_161] : memref<128x144xf32, #tpu.memory_space<vmem>> -> memref<8x144xf32, #tpu.memory_space<vmem>>
    %dma_wait3A_163 = arith.constant 0 : i32
    %dma_wait3A_164 = arith.constant 0 : i32
    %dma_wait3A_165 = tpu.memref_slice %arg4[%add3A, %dma_wait3A_163, %dma_wait3A_164] : memref<32x128x144xf32, #tpu.memory_space<hbm>> -> memref<1x8x144xf32, #tpu.memory_space<hbm>>
    %dma_wait3A_166 = tpu.memref_squeeze %dma_wait3A_165 : memref<1x8x144xf32, #tpu.memory_space<hbm>> -> memref<8x144xf32, #tpu.memory_space<hbm>>
    %dma_wait3A_167 = arith.constant 0 : i32
    %dma_wait3A_168 = arith.constant 0 : i32
    %dma_wait3A_169 = tpu.memref_slice %arg4[%add3A, %dma_wait3A_167, %dma_wait3A_168] : memref<32x128x144xf32, #tpu.memory_space<hbm>> -> memref<1x8x144xf32, #tpu.memory_space<hbm>>
    %dma_wait3A_170 = tpu.memref_squeeze %dma_wait3A_169 : memref<1x8x144xf32, #tpu.memory_space<hbm>> -> memref<8x144xf32, #tpu.memory_space<hbm>>
    %dma_wait3A_171 = arith.constant 0 : i32
    %dma_wait3A_172 = arith.constant 0 : i32
    %dma_wait3A_173 = tpu.memref_slice %arg7[%dma_wait3A_171, %dma_wait3A_172] : memref<128x144xf32, #tpu.memory_space<vmem>> -> memref<8x144xf32, #tpu.memory_space<vmem>>
    tpu.wait_dma2 semaphore(%arg12 : memref<!tpu.dma_semaphore, #tpu.memory_space<semaphore_mem>>) src(%dma_wait3A_173 : memref<8x144xf32, #tpu.memory_space<vmem>>) dst(%dma_wait3A_170 : memref<8x144xf32, #tpu.memory_space<hbm>>)
    %dma_wait3A_174 = arith.constant 0 : i32
    %dma_wait3A_175 = arith.constant 0 : i32
    %dma_wait3A_176 = tpu.memref_slice %arg7[%dma_wait3A_174, %dma_wait3A_175] : memref<128x144xf32, #tpu.memory_space<vmem>> -> memref<8x144xf32, #tpu.memory_space<vmem>>
    %dma_wait3A_177 = arith.constant 0 : i32
    %dma_wait3A_178 = arith.constant 0 : i32
    %dma_wait3A_179 = tpu.memref_slice %arg4[%add3A, %dma_wait3A_177, %dma_wait3A_178] : memref<32x128x144xf32, #tpu.memory_space<hbm>> -> memref<1x8x144xf32, #tpu.memory_space<hbm>>
    %dma_wait3A_180 = tpu.memref_squeeze %dma_wait3A_179 : memref<1x8x144xf32, #tpu.memory_space<hbm>> -> memref<8x144xf32, #tpu.memory_space<hbm>>
    %dma_wait3A_181 = arith.constant 0 : i32
    %dma_wait3A_182 = arith.constant 0 : i32
    %dma_wait3A_183 = tpu.memref_slice %arg4[%add3A, %dma_wait3A_181, %dma_wait3A_182] : memref<32x128x144xf32, #tpu.memory_space<hbm>> -> memref<1x8x144xf32, #tpu.memory_space<hbm>>
    %dma_wait3A_184 = tpu.memref_squeeze %dma_wait3A_183 : memref<1x8x144xf32, #tpu.memory_space<hbm>> -> memref<8x144xf32, #tpu.memory_space<hbm>>
    %dma_wait3A_185 = arith.constant 0 : i32
    %dma_wait3A_186 = arith.constant 0 : i32
    %dma_wait3A_187 = tpu.memref_slice %arg7[%dma_wait3A_185, %dma_wait3A_186] : memref<128x144xf32, #tpu.memory_space<vmem>> -> memref<8x144xf32, #tpu.memory_space<vmem>>
    tpu.wait_dma2 semaphore(%arg12 : memref<!tpu.dma_semaphore, #tpu.memory_space<semaphore_mem>>) src(%dma_wait3A_187 : memref<8x144xf32, #tpu.memory_space<vmem>>) dst(%dma_wait3A_184 : memref<8x144xf32, #tpu.memory_space<hbm>>)
    %dma_wait3A_188 = arith.constant 0 : i32
    %dma_wait3A_189 = arith.constant 0 : i32
    %dma_wait3A_190 = tpu.memref_slice %arg7[%dma_wait3A_188, %dma_wait3A_189] : memref<128x144xf32, #tpu.memory_space<vmem>> -> memref<8x144xf32, #tpu.memory_space<vmem>>
    %dma_wait3A_191 = arith.constant 0 : i32
    %dma_wait3A_192 = arith.constant 0 : i32
    %dma_wait3A_193 = tpu.memref_slice %arg4[%add3A, %dma_wait3A_191, %dma_wait3A_192] : memref<32x128x144xf32, #tpu.memory_space<hbm>> -> memref<1x8x144xf32, #tpu.memory_space<hbm>>
    %dma_wait3A_194 = tpu.memref_squeeze %dma_wait3A_193 : memref<1x8x144xf32, #tpu.memory_space<hbm>> -> memref<8x144xf32, #tpu.memory_space<hbm>>
    %dma_wait3A_195 = arith.constant 0 : i32
    %dma_wait3A_196 = arith.constant 0 : i32
    %dma_wait3A_197 = tpu.memref_slice %arg4[%add3A, %dma_wait3A_195, %dma_wait3A_196] : memref<32x128x144xf32, #tpu.memory_space<hbm>> -> memref<1x8x144xf32, #tpu.memory_space<hbm>>
    %dma_wait3A_198 = tpu.memref_squeeze %dma_wait3A_197 : memref<1x8x144xf32, #tpu.memory_space<hbm>> -> memref<8x144xf32, #tpu.memory_space<hbm>>
    %dma_wait3A_199 = arith.constant 0 : i32
    %dma_wait3A_200 = arith.constant 0 : i32
    %dma_wait3A_201 = tpu.memref_slice %arg7[%dma_wait3A_199, %dma_wait3A_200] : memref<128x144xf32, #tpu.memory_space<vmem>> -> memref<8x144xf32, #tpu.memory_space<vmem>>
    tpu.wait_dma2 semaphore(%arg12 : memref<!tpu.dma_semaphore, #tpu.memory_space<semaphore_mem>>) src(%dma_wait3A_201 : memref<8x144xf32, #tpu.memory_space<vmem>>) dst(%dma_wait3A_198 : memref<8x144xf32, #tpu.memory_space<hbm>>)
    %dma_wait3A_202 = arith.constant 0 : i32
    %dma_wait3A_203 = arith.constant 0 : i32
    %dma_wait3A_204 = tpu.memref_slice %arg7[%dma_wait3A_202, %dma_wait3A_203] : memref<128x144xf32, #tpu.memory_space<vmem>> -> memref<8x144xf32, #tpu.memory_space<vmem>>
    %dma_wait3A_205 = arith.constant 0 : i32
    %dma_wait3A_206 = arith.constant 0 : i32
    %dma_wait3A_207 = tpu.memref_slice %arg4[%add3A, %dma_wait3A_205, %dma_wait3A_206] : memref<32x128x144xf32, #tpu.memory_space<hbm>> -> memref<1x8x144xf32, #tpu.memory_space<hbm>>
    %dma_wait3A_208 = tpu.memref_squeeze %dma_wait3A_207 : memref<1x8x144xf32, #tpu.memory_space<hbm>> -> memref<8x144xf32, #tpu.memory_space<hbm>>
    %dma_wait3A_209 = arith.constant 0 : i32
    %dma_wait3A_210 = arith.constant 0 : i32
    %dma_wait3A_211 = tpu.memref_slice %arg4[%add3A, %dma_wait3A_209, %dma_wait3A_210] : memref<32x128x144xf32, #tpu.memory_space<hbm>> -> memref<1x8x144xf32, #tpu.memory_space<hbm>>
    %dma_wait3A_212 = tpu.memref_squeeze %dma_wait3A_211 : memref<1x8x144xf32, #tpu.memory_space<hbm>> -> memref<8x144xf32, #tpu.memory_space<hbm>>
    %dma_wait3A_213 = arith.constant 0 : i32
    %dma_wait3A_214 = arith.constant 0 : i32
    %dma_wait3A_215 = tpu.memref_slice %arg7[%dma_wait3A_213, %dma_wait3A_214] : memref<128x144xf32, #tpu.memory_space<vmem>> -> memref<8x144xf32, #tpu.memory_space<vmem>>
    tpu.wait_dma2 semaphore(%arg12 : memref<!tpu.dma_semaphore, #tpu.memory_space<semaphore_mem>>) src(%dma_wait3A_215 : memref<8x144xf32, #tpu.memory_space<vmem>>) dst(%dma_wait3A_212 : memref<8x144xf32, #tpu.memory_space<hbm>>)
    %dma_wait3A_216 = arith.constant 0 : i32
    %dma_wait3A_217 = arith.constant 0 : i32
    %dma_wait3A_218 = tpu.memref_slice %arg7[%dma_wait3A_216, %dma_wait3A_217] : memref<128x144xf32, #tpu.memory_space<vmem>> -> memref<8x144xf32, #tpu.memory_space<vmem>>
    %dma_wait3A_219 = arith.constant 0 : i32
    %dma_wait3A_220 = arith.constant 0 : i32
    %dma_wait3A_221 = tpu.memref_slice %arg4[%add3A, %dma_wait3A_219, %dma_wait3A_220] : memref<32x128x144xf32, #tpu.memory_space<hbm>> -> memref<1x8x144xf32, #tpu.memory_space<hbm>>
    %dma_wait3A_222 = tpu.memref_squeeze %dma_wait3A_221 : memref<1x8x144xf32, #tpu.memory_space<hbm>> -> memref<8x144xf32, #tpu.memory_space<hbm>>
    %dma_wait3A_223 = arith.constant 0 : i32
    %dma_wait3A_224 = arith.constant 0 : i32
    %dma_wait3A_225 = tpu.memref_slice %arg4[%add3A, %dma_wait3A_223, %dma_wait3A_224] : memref<32x128x144xf32, #tpu.memory_space<hbm>> -> memref<1x8x144xf32, #tpu.memory_space<hbm>>
    %dma_wait3A_226 = tpu.memref_squeeze %dma_wait3A_225 : memref<1x8x144xf32, #tpu.memory_space<hbm>> -> memref<8x144xf32, #tpu.memory_space<hbm>>
    %dma_wait3A_227 = arith.constant 0 : i32
    %dma_wait3A_228 = arith.constant 0 : i32
    %dma_wait3A_229 = tpu.memref_slice %arg7[%dma_wait3A_227, %dma_wait3A_228] : memref<128x144xf32, #tpu.memory_space<vmem>> -> memref<8x144xf32, #tpu.memory_space<vmem>>
    tpu.wait_dma2 semaphore(%arg12 : memref<!tpu.dma_semaphore, #tpu.memory_space<semaphore_mem>>) src(%dma_wait3A_229 : memref<8x144xf32, #tpu.memory_space<vmem>>) dst(%dma_wait3A_226 : memref<8x144xf32, #tpu.memory_space<hbm>>)
    %dma_wait3A_230 = arith.constant 0 : i32
    %dma_wait3A_231 = arith.constant 0 : i32
    %dma_wait3A_232 = tpu.memref_slice %arg7[%dma_wait3A_230, %dma_wait3A_231] : memref<128x144xf32, #tpu.memory_space<vmem>> -> memref<8x144xf32, #tpu.memory_space<vmem>>
    %dma_wait3A_233 = arith.constant 0 : i32
    %dma_wait3A_234 = arith.constant 0 : i32
    %dma_wait3A_235 = tpu.memref_slice %arg4[%add3A, %dma_wait3A_233, %dma_wait3A_234] : memref<32x128x144xf32, #tpu.memory_space<hbm>> -> memref<1x8x144xf32, #tpu.memory_space<hbm>>
    %dma_wait3A_236 = tpu.memref_squeeze %dma_wait3A_235 : memref<1x8x144xf32, #tpu.memory_space<hbm>> -> memref<8x144xf32, #tpu.memory_space<hbm>>
    %dma_wait3A_237 = arith.constant 0 : i32
    %dma_wait3A_238 = arith.constant 0 : i32
    %dma_wait3A_239 = tpu.memref_slice %arg4[%add3A, %dma_wait3A_237, %dma_wait3A_238] : memref<32x128x144xf32, #tpu.memory_space<hbm>> -> memref<1x8x144xf32, #tpu.memory_space<hbm>>
    %dma_wait3A_240 = tpu.memref_squeeze %dma_wait3A_239 : memref<1x8x144xf32, #tpu.memory_space<hbm>> -> memref<8x144xf32, #tpu.memory_space<hbm>>
    %dma_wait3A_241 = arith.constant 0 : i32
    %dma_wait3A_242 = arith.constant 0 : i32
    %dma_wait3A_243 = tpu.memref_slice %arg7[%dma_wait3A_241, %dma_wait3A_242] : memref<128x144xf32, #tpu.memory_space<vmem>> -> memref<8x144xf32, #tpu.memory_space<vmem>>
    tpu.wait_dma2 semaphore(%arg12 : memref<!tpu.dma_semaphore, #tpu.memory_space<semaphore_mem>>) src(%dma_wait3A_243 : memref<8x144xf32, #tpu.memory_space<vmem>>) dst(%dma_wait3A_240 : memref<8x144xf32, #tpu.memory_space<hbm>>)
    %dma_wait3A_244 = arith.constant 0 : i32
    %dma_wait3A_245 = arith.constant 0 : i32
    %dma_wait3A_246 = tpu.memref_slice %arg7[%dma_wait3A_244, %dma_wait3A_245] : memref<128x144xf32, #tpu.memory_space<vmem>> -> memref<8x144xf32, #tpu.memory_space<vmem>>
    %dma_wait3A_247 = arith.constant 0 : i32
    %dma_wait3A_248 = arith.constant 0 : i32
    %dma_wait3A_249 = tpu.memref_slice %arg4[%add3A, %dma_wait3A_247, %dma_wait3A_248] : memref<32x128x144xf32, #tpu.memory_space<hbm>> -> memref<1x8x144xf32, #tpu.memory_space<hbm>>
    %dma_wait3A_250 = tpu.memref_squeeze %dma_wait3A_249 : memref<1x8x144xf32, #tpu.memory_space<hbm>> -> memref<8x144xf32, #tpu.memory_space<hbm>>
    %dma_wait3A_251 = arith.constant 0 : i32
    %dma_wait3A_252 = arith.constant 0 : i32
    %dma_wait3A_253 = tpu.memref_slice %arg4[%add3A, %dma_wait3A_251, %dma_wait3A_252] : memref<32x128x144xf32, #tpu.memory_space<hbm>> -> memref<1x8x144xf32, #tpu.memory_space<hbm>>
    %dma_wait3A_254 = tpu.memref_squeeze %dma_wait3A_253 : memref<1x8x144xf32, #tpu.memory_space<hbm>> -> memref<8x144xf32, #tpu.memory_space<hbm>>
    %dma_wait3A_255 = arith.constant 0 : i32
    %dma_wait3A_256 = arith.constant 0 : i32
    %dma_wait3A_257 = tpu.memref_slice %arg7[%dma_wait3A_255, %dma_wait3A_256] : memref<128x144xf32, #tpu.memory_space<vmem>> -> memref<8x144xf32, #tpu.memory_space<vmem>>
    tpu.wait_dma2 semaphore(%arg12 : memref<!tpu.dma_semaphore, #tpu.memory_space<semaphore_mem>>) src(%dma_wait3A_257 : memref<8x144xf32, #tpu.memory_space<vmem>>) dst(%dma_wait3A_254 : memref<8x144xf32, #tpu.memory_space<hbm>>)
    %dma_wait3A_258 = arith.constant 0 : i32
    %dma_wait3A_259 = arith.constant 0 : i32
    %dma_wait3A_260 = tpu.memref_slice %arg7[%dma_wait3A_258, %dma_wait3A_259] : memref<128x144xf32, #tpu.memory_space<vmem>> -> memref<8x144xf32, #tpu.memory_space<vmem>>
    %dma_wait3A_261 = arith.constant 0 : i32
    %dma_wait3A_262 = arith.constant 0 : i32
    %dma_wait3A_263 = tpu.memref_slice %arg4[%add3A, %dma_wait3A_261, %dma_wait3A_262] : memref<32x128x144xf32, #tpu.memory_space<hbm>> -> memref<1x8x144xf32, #tpu.memory_space<hbm>>
    %dma_wait3A_264 = tpu.memref_squeeze %dma_wait3A_263 : memref<1x8x144xf32, #tpu.memory_space<hbm>> -> memref<8x144xf32, #tpu.memory_space<hbm>>
    %dma_wait3A_265 = arith.constant 0 : i32
    %dma_wait3A_266 = arith.constant 0 : i32
    %dma_wait3A_267 = tpu.memref_slice %arg4[%add3A, %dma_wait3A_265, %dma_wait3A_266] : memref<32x128x144xf32, #tpu.memory_space<hbm>> -> memref<1x8x144xf32, #tpu.memory_space<hbm>>
    %dma_wait3A_268 = tpu.memref_squeeze %dma_wait3A_267 : memref<1x8x144xf32, #tpu.memory_space<hbm>> -> memref<8x144xf32, #tpu.memory_space<hbm>>
    %dma_wait3A_269 = arith.constant 0 : i32
    %dma_wait3A_270 = arith.constant 0 : i32
    %dma_wait3A_271 = tpu.memref_slice %arg7[%dma_wait3A_269, %dma_wait3A_270] : memref<128x144xf32, #tpu.memory_space<vmem>> -> memref<8x144xf32, #tpu.memory_space<vmem>>
    tpu.wait_dma2 semaphore(%arg12 : memref<!tpu.dma_semaphore, #tpu.memory_space<semaphore_mem>>) src(%dma_wait3A_271 : memref<8x144xf32, #tpu.memory_space<vmem>>) dst(%dma_wait3A_268 : memref<8x144xf32, #tpu.memory_space<hbm>>)
    %dma_wait3A_272 = arith.constant 0 : i32
    %dma_wait3A_273 = arith.constant 0 : i32
    %dma_wait3A_274 = tpu.memref_slice %arg7[%dma_wait3A_272, %dma_wait3A_273] : memref<128x144xf32, #tpu.memory_space<vmem>> -> memref<8x144xf32, #tpu.memory_space<vmem>>
    %dma_wait3A_275 = arith.constant 0 : i32
    %dma_wait3A_276 = arith.constant 0 : i32
    %dma_wait3A_277 = tpu.memref_slice %arg4[%add3A, %dma_wait3A_275, %dma_wait3A_276] : memref<32x128x144xf32, #tpu.memory_space<hbm>> -> memref<1x8x144xf32, #tpu.memory_space<hbm>>
    %dma_wait3A_278 = tpu.memref_squeeze %dma_wait3A_277 : memref<1x8x144xf32, #tpu.memory_space<hbm>> -> memref<8x144xf32, #tpu.memory_space<hbm>>
    %dma_wait3A_279 = arith.constant 0 : i32
    %dma_wait3A_280 = arith.constant 0 : i32
    %dma_wait3A_281 = tpu.memref_slice %arg4[%add3A, %dma_wait3A_279, %dma_wait3A_280] : memref<32x128x144xf32, #tpu.memory_space<hbm>> -> memref<1x8x144xf32, #tpu.memory_space<hbm>>
    %dma_wait3A_282 = tpu.memref_squeeze %dma_wait3A_281 : memref<1x8x144xf32, #tpu.memory_space<hbm>> -> memref<8x144xf32, #tpu.memory_space<hbm>>
    %dma_wait3A_283 = arith.constant 0 : i32
    %dma_wait3A_284 = arith.constant 0 : i32
    %dma_wait3A_285 = tpu.memref_slice %arg7[%dma_wait3A_283, %dma_wait3A_284] : memref<128x144xf32, #tpu.memory_space<vmem>> -> memref<8x144xf32, #tpu.memory_space<vmem>>
    tpu.wait_dma2 semaphore(%arg12 : memref<!tpu.dma_semaphore, #tpu.memory_space<semaphore_mem>>) src(%dma_wait3A_285 : memref<8x144xf32, #tpu.memory_space<vmem>>) dst(%dma_wait3A_282 : memref<8x144xf32, #tpu.memory_space<hbm>>)
    %dma_wait3A_286 = arith.constant 0 : i32
    %dma_wait3A_287 = arith.constant 0 : i32
    %dma_wait3A_288 = tpu.memref_slice %arg7[%dma_wait3A_286, %dma_wait3A_287] : memref<128x144xf32, #tpu.memory_space<vmem>> -> memref<8x144xf32, #tpu.memory_space<vmem>>
    %dma_wait3A_289 = arith.constant 0 : i32
    %dma_wait3A_290 = arith.constant 0 : i32
    %dma_wait3A_291 = tpu.memref_slice %arg4[%add3A, %dma_wait3A_289, %dma_wait3A_290] : memref<32x128x144xf32, #tpu.memory_space<hbm>> -> memref<1x8x144xf32, #tpu.memory_space<hbm>>
    %dma_wait3A_292 = tpu.memref_squeeze %dma_wait3A_291 : memref<1x8x144xf32, #tpu.memory_space<hbm>> -> memref<8x144xf32, #tpu.memory_space<hbm>>
    %dma_wait3A_293 = arith.constant 0 : i32
    %dma_wait3A_294 = arith.constant 0 : i32
    %dma_wait3A_295 = tpu.memref_slice %arg4[%add3A, %dma_wait3A_293, %dma_wait3A_294] : memref<32x128x144xf32, #tpu.memory_space<hbm>> -> memref<1x8x144xf32, #tpu.memory_space<hbm>>
    %dma_wait3A_296 = tpu.memref_squeeze %dma_wait3A_295 : memref<1x8x144xf32, #tpu.memory_space<hbm>> -> memref<8x144xf32, #tpu.memory_space<hbm>>
    %dma_wait3A_297 = arith.constant 0 : i32
    %dma_wait3A_298 = arith.constant 0 : i32
    %dma_wait3A_299 = tpu.memref_slice %arg7[%dma_wait3A_297, %dma_wait3A_298] : memref<128x144xf32, #tpu.memory_space<vmem>> -> memref<8x144xf32, #tpu.memory_space<vmem>>
    tpu.wait_dma2 semaphore(%arg12 : memref<!tpu.dma_semaphore, #tpu.memory_space<semaphore_mem>>) src(%dma_wait3A_299 : memref<8x144xf32, #tpu.memory_space<vmem>>) dst(%dma_wait3A_296 : memref<8x144xf32, #tpu.memory_space<hbm>>)
    %dma_wait3A_300 = arith.constant 0 : i32
    %dma_wait3A_301 = arith.constant 0 : i32
    %dma_wait3A_302 = tpu.memref_slice %arg7[%dma_wait3A_300, %dma_wait3A_301] : memref<128x144xf32, #tpu.memory_space<vmem>> -> memref<8x144xf32, #tpu.memory_space<vmem>>
    %dma_wait3A_303 = arith.constant 0 : i32
    %dma_wait3A_304 = arith.constant 0 : i32
    %dma_wait3A_305 = tpu.memref_slice %arg4[%add3A, %dma_wait3A_303, %dma_wait3A_304] : memref<32x128x144xf32, #tpu.memory_space<hbm>> -> memref<1x8x144xf32, #tpu.memory_space<hbm>>
    %dma_wait3A_306 = tpu.memref_squeeze %dma_wait3A_305 : memref<1x8x144xf32, #tpu.memory_space<hbm>> -> memref<8x144xf32, #tpu.memory_space<hbm>>
    %dma_wait3A_307 = arith.constant 0 : i32
    %dma_wait3A_308 = arith.constant 0 : i32
    %dma_wait3A_309 = tpu.memref_slice %arg4[%add3A, %dma_wait3A_307, %dma_wait3A_308] : memref<32x128x144xf32, #tpu.memory_space<hbm>> -> memref<1x8x144xf32, #tpu.memory_space<hbm>>
    %dma_wait3A_310 = tpu.memref_squeeze %dma_wait3A_309 : memref<1x8x144xf32, #tpu.memory_space<hbm>> -> memref<8x144xf32, #tpu.memory_space<hbm>>
    %dma_wait3A_311 = arith.constant 0 : i32
    %dma_wait3A_312 = arith.constant 0 : i32
    %dma_wait3A_313 = tpu.memref_slice %arg7[%dma_wait3A_311, %dma_wait3A_312] : memref<128x144xf32, #tpu.memory_space<vmem>> -> memref<8x144xf32, #tpu.memory_space<vmem>>
    tpu.wait_dma2 semaphore(%arg12 : memref<!tpu.dma_semaphore, #tpu.memory_space<semaphore_mem>>) src(%dma_wait3A_313 : memref<8x144xf32, #tpu.memory_space<vmem>>) dst(%dma_wait3A_310 : memref<8x144xf32, #tpu.memory_space<hbm>>)
    %dma_wait3A_314 = arith.constant 0 : i32
    %dma_wait3A_315 = arith.constant 0 : i32
    %dma_wait3A_316 = tpu.memref_slice %arg7[%dma_wait3A_314, %dma_wait3A_315] : memref<128x144xf32, #tpu.memory_space<vmem>> -> memref<8x144xf32, #tpu.memory_space<vmem>>
    %dma_wait3A_317 = arith.constant 0 : i32
    %dma_wait3A_318 = arith.constant 0 : i32
    %dma_wait3A_319 = tpu.memref_slice %arg4[%add3A, %dma_wait3A_317, %dma_wait3A_318] : memref<32x128x144xf32, #tpu.memory_space<hbm>> -> memref<1x8x144xf32, #tpu.memory_space<hbm>>
    %dma_wait3A_320 = tpu.memref_squeeze %dma_wait3A_319 : memref<1x8x144xf32, #tpu.memory_space<hbm>> -> memref<8x144xf32, #tpu.memory_space<hbm>>
    %dma_wait3A_321 = arith.constant 0 : i32
    %dma_wait3A_322 = arith.constant 0 : i32
    %dma_wait3A_323 = tpu.memref_slice %arg4[%add3A, %dma_wait3A_321, %dma_wait3A_322] : memref<32x128x144xf32, #tpu.memory_space<hbm>> -> memref<1x8x144xf32, #tpu.memory_space<hbm>>
    %dma_wait3A_324 = tpu.memref_squeeze %dma_wait3A_323 : memref<1x8x144xf32, #tpu.memory_space<hbm>> -> memref<8x144xf32, #tpu.memory_space<hbm>>
    %dma_wait3A_325 = arith.constant 0 : i32
    %dma_wait3A_326 = arith.constant 0 : i32
    %dma_wait3A_327 = tpu.memref_slice %arg7[%dma_wait3A_325, %dma_wait3A_326] : memref<128x144xf32, #tpu.memory_space<vmem>> -> memref<8x144xf32, #tpu.memory_space<vmem>>
    tpu.wait_dma2 semaphore(%arg12 : memref<!tpu.dma_semaphore, #tpu.memory_space<semaphore_mem>>) src(%dma_wait3A_327 : memref<8x144xf32, #tpu.memory_space<vmem>>) dst(%dma_wait3A_324 : memref<8x144xf32, #tpu.memory_space<hbm>>)
    return
  }
}

module attributes {stable_mosaic.version = 14 : i64} {
  func.func @_tc_seg_body(%arg0: i32, %arg1: memref<128x8192xf32, #tpu.memory_space<vmem>>, %arg2: memref<1x1x8192xi32, #tpu.memory_space<vmem>>, %arg3: memref<128x16xf32, #tpu.memory_space<vmem>>) attributes {dimension_semantics = [#tpu.dimension_semantics<arbitrary>], iteration_bounds = array<i64: 19>, scalar_prefetch = 0 : i64, scratch_operands = 0 : i64, tpu.core_type = #tpu.core_type<tc>, window_params = [{transform_indices = @transform_0, window_bounds = array<i64: 128, 8192>}, {transform_indices = @transform_1, window_bounds = array<i64: 1, 1, 8192>}, {pipeline_mode = #tpu.pipeline_mode<synchronous>, transform_indices = @transform_2, window_bounds = array<i64: 128, 16>}]} {
    %get3A = arith.constant 0 : index
    %get3A_0 = arith.constant 0 : index
    %get3A_1 = arith.constant 0 : index
    %get3A_2 = vector.load %arg2[%get3A, %get3A_0, %get3A_1] : memref<1x1x8192xi32, #tpu.memory_space<vmem>>, vector<1x1x8192xi32>
    %get3A_3 = vector.shape_cast %get3A_2 : vector<1x1x8192xi32> to vector<1x8192xi32>
    %iota3A = tpu.iota {dimensions = array<i32: 0>} : vector<16x8192xi32>
    %eq3A = vector.broadcast %get3A_3 : vector<1x8192xi32> to vector<16x8192xi32>
    %eq3A_4 = arith.cmpi eq, %eq3A, %iota3A : vector<16x8192xi32>
    %convert_element_type3A = arith.extui %eq3A_4 : vector<16x8192xi1> to vector<16x8192xi32>
    %convert_element_type3A_5 = arith.sitofp %convert_element_type3A : vector<16x8192xi32> to vector<16x8192xf32>
    %get3A_6 = arith.constant 0 : index
    %get3A_7 = arith.constant 0 : index
    %get3A_8 = vector.load %arg1[%get3A_6, %get3A_7] : memref<128x8192xf32, #tpu.memory_space<vmem>>, vector<128x8192xf32>
    %dot_general3A = arith.constant dense<0.000000e+00> : vector<128x16xf32>
    %dot_general3A_9 = tpu.matmul %get3A_8, %convert_element_type3A_5, %dot_general3A {dimension_numbers = #tpu.dot_dimension_numbers<[1], [1], [0], [0], [0, 0, 1, 0], [], []>, transpose_lhs_hint = false} : vector<128x8192xf32>, vector<16x8192xf32>, vector<128x16xf32> -> vector<128x16xf32>
    %eq3A_10 = arith.constant 0 : i32
    %eq3A_11 = arith.cmpi eq, %arg0, %eq3A_10 : i32
    %convert_element_type3A_12 = arith.extui %eq3A_11 : i1 to i32
    %cond3A = arith.constant 0 : i32
    %cond3A_13 = arith.cmpi ne, %convert_element_type3A_12, %cond3A : i32
    scf.if %cond3A_13 {
      %swap3A = arith.constant 0 : index
      %swap3A_18 = arith.constant 0 : index
      %swap3A_19 = vector.load %arg3[%swap3A, %swap3A_18] : memref<128x16xf32, #tpu.memory_space<vmem>>, vector<128x16xf32>
      tpu.vector_store %arg3[%swap3A, %swap3A_18], %dot_general3A_9 {strides = array<i32>} : memref<128x16xf32, #tpu.memory_space<vmem>>, vector<128x16xf32>,
    } else {
    }
    %gt3A = arith.constant 0 : i32
    %gt3A_14 = arith.cmpi sgt, %arg0, %gt3A : i32
    %convert_element_type3A_15 = arith.extui %gt3A_14 : i1 to i32
    %cond3A_16 = arith.constant 0 : i32
    %cond3A_17 = arith.cmpi ne, %convert_element_type3A_15, %cond3A_16 : i32
    scf.if %cond3A_17 {
      %get3A_18 = arith.constant 0 : index
      %get3A_19 = arith.constant 0 : index
      %get3A_20 = vector.load %arg3[%get3A_18, %get3A_19] : memref<128x16xf32, #tpu.memory_space<vmem>>, vector<128x16xf32>
      %add3A = arith.addf %get3A_20, %dot_general3A_9 : vector<128x16xf32>
      %swap3A = arith.constant 0 : index
      %swap3A_21 = arith.constant 0 : index
      %swap3A_22 = vector.load %arg3[%swap3A, %swap3A_21] : memref<128x16xf32, #tpu.memory_space<vmem>>, vector<128x16xf32>
      tpu.vector_store %arg3[%swap3A, %swap3A_21], %add3A {strides = array<i32>} : memref<128x16xf32, #tpu.memory_space<vmem>>, vector<128x16xf32>,
    } else {
    }
    return
  }
  func.func @transform_0(%arg0: i32) -> (i32, i32) {
    %add3A = arith.constant 13 : i32
    %add3A_0 = arith.addi %add3A, %arg0 : i32
    %c0_i32 = arith.constant 0 : i32
    %c0_i32_1 = arith.constant 0 : i32
    return %c0_i32, %add3A_0 : i32, i32
  }
  func.func @transform_1(%arg0: i32) -> (i32, i32, i32) {
    %add3A = arith.constant 13 : i32
    %add3A_0 = arith.addi %add3A, %arg0 : i32
    %c0_i32 = arith.constant 0 : i32
    %c0_i32_1 = arith.constant 0 : i32
    %c0_i32_2 = arith.constant 0 : i32
    return %add3A_0, %c0_i32, %c0_i32_1 : i32, i32, i32
  }
  func.func @transform_2(%arg0: i32) -> (i32, i32) {
    %c0_i32 = arith.constant 0 : i32
    %c0_i32_0 = arith.constant 0 : i32
    %c0_i32_1 = arith.constant 0 : i32
    return %c0_i32, %c0_i32_0 : i32, i32
  }
}

module attributes {stable_mosaic.version = 14 : i64} {
  func.func @_ep_body(%arg0: memref<32x128x144xf32, #tpu.memory_space<vmem>>, %arg1: memref<128x16xf32, #tpu.memory_space<vmem>>, %arg2: memref<80xf32, #tpu.memory_space<vmem>>, %arg3: memref<36x8xf32, #tpu.memory_space<vmem>>, %arg4: memref<128x8xf32, #tpu.memory_space<vmem>>) attributes {dimension_semantics = [], scalar_prefetch = 0 : i64, scratch_operands = 0 : i64, tpu.core_type = #tpu.core_type<tc>} {
    %get3A = arith.constant 0 : index
    %get3A_0 = arith.constant 0 : index
    %get3A_1 = arith.constant 0 : index
    %get3A_2 = vector.load %arg0[%get3A, %get3A_0, %get3A_1] : memref<32x128x144xf32, #tpu.memory_space<vmem>>, vector<1x128x144xf32>
    %get3A_3 = vector.shape_cast %get3A_2 : vector<1x128x144xf32> to vector<128x144xf32>
    %get3A_4 = arith.constant 1 : index
    %get3A_5 = arith.constant 0 : index
    %get3A_6 = arith.constant 0 : index
    %get3A_7 = vector.load %arg0[%get3A_4, %get3A_5, %get3A_6] : memref<32x128x144xf32, #tpu.memory_space<vmem>>, vector<1x128x144xf32>
    %get3A_8 = vector.shape_cast %get3A_7 : vector<1x128x144xf32> to vector<128x144xf32>
    %add3A = arith.addf %get3A_3, %get3A_8 : vector<128x144xf32>
    %get3A_9 = arith.constant 2 : index
    %get3A_10 = arith.constant 0 : index
    %get3A_11 = arith.constant 0 : index
    %get3A_12 = vector.load %arg0[%get3A_9, %get3A_10, %get3A_11] : memref<32x128x144xf32, #tpu.memory_space<vmem>>, vector<1x128x144xf32>
    %get3A_13 = vector.shape_cast %get3A_12 : vector<1x128x144xf32> to vector<128x144xf32>
    %add3A_14 = arith.addf %add3A, %get3A_13 : vector<128x144xf32>
    %get3A_15 = arith.constant 3 : index
    %get3A_16 = arith.constant 0 : index
    %get3A_17 = arith.constant 0 : index
    %get3A_18 = vector.load %arg0[%get3A_15, %get3A_16, %get3A_17] : memref<32x128x144xf32, #tpu.memory_space<vmem>>, vector<1x128x144xf32>
    %get3A_19 = vector.shape_cast %get3A_18 : vector<1x128x144xf32> to vector<128x144xf32>
    %add3A_20 = arith.addf %add3A_14, %get3A_19 : vector<128x144xf32>
    %get3A_21 = arith.constant 4 : index
    %get3A_22 = arith.constant 0 : index
    %get3A_23 = arith.constant 0 : index
    %get3A_24 = vector.load %arg0[%get3A_21, %get3A_22, %get3A_23] : memref<32x128x144xf32, #tpu.memory_space<vmem>>, vector<1x128x144xf32>
    %get3A_25 = vector.shape_cast %get3A_24 : vector<1x128x144xf32> to vector<128x144xf32>
    %add3A_26 = arith.addf %add3A_20, %get3A_25 : vector<128x144xf32>
    %get3A_27 = arith.constant 5 : index
    %get3A_28 = arith.constant 0 : index
    %get3A_29 = arith.constant 0 : index
    %get3A_30 = vector.load %arg0[%get3A_27, %get3A_28, %get3A_29] : memref<32x128x144xf32, #tpu.memory_space<vmem>>, vector<1x128x144xf32>
    %get3A_31 = vector.shape_cast %get3A_30 : vector<1x128x144xf32> to vector<128x144xf32>
    %add3A_32 = arith.addf %add3A_26, %get3A_31 : vector<128x144xf32>
    %get3A_33 = arith.constant 6 : index
    %get3A_34 = arith.constant 0 : index
    %get3A_35 = arith.constant 0 : index
    %get3A_36 = vector.load %arg0[%get3A_33, %get3A_34, %get3A_35] : memref<32x128x144xf32, #tpu.memory_space<vmem>>, vector<1x128x144xf32>
    %get3A_37 = vector.shape_cast %get3A_36 : vector<1x128x144xf32> to vector<128x144xf32>
    %add3A_38 = arith.addf %add3A_32, %get3A_37 : vector<128x144xf32>
    %get3A_39 = arith.constant 7 : index
    %get3A_40 = arith.constant 0 : index
    %get3A_41 = arith.constant 0 : index
    %get3A_42 = vector.load %arg0[%get3A_39, %get3A_40, %get3A_41] : memref<32x128x144xf32, #tpu.memory_space<vmem>>, vector<1x128x144xf32>
    %get3A_43 = vector.shape_cast %get3A_42 : vector<1x128x144xf32> to vector<128x144xf32>
    %add3A_44 = arith.addf %add3A_38, %get3A_43 : vector<128x144xf32>
    %get3A_45 = arith.constant 8 : index
    %get3A_46 = arith.constant 0 : index
    %get3A_47 = arith.constant 0 : index
    %get3A_48 = vector.load %arg0[%get3A_45, %get3A_46, %get3A_47] : memref<32x128x144xf32, #tpu.memory_space<vmem>>, vector<1x128x144xf32>
    %get3A_49 = vector.shape_cast %get3A_48 : vector<1x128x144xf32> to vector<128x144xf32>
    %add3A_50 = arith.addf %add3A_44, %get3A_49 : vector<128x144xf32>
    %get3A_51 = arith.constant 9 : index
    %get3A_52 = arith.constant 0 : index
    %get3A_53 = arith.constant 0 : index
    %get3A_54 = vector.load %arg0[%get3A_51, %get3A_52, %get3A_53] : memref<32x128x144xf32, #tpu.memory_space<vmem>>, vector<1x128x144xf32>
    %get3A_55 = vector.shape_cast %get3A_54 : vector<1x128x144xf32> to vector<128x144xf32>
    %add3A_56 = arith.addf %add3A_50, %get3A_55 : vector<128x144xf32>
    %get3A_57 = arith.constant 10 : index
    %get3A_58 = arith.constant 0 : index
    %get3A_59 = arith.constant 0 : index
    %get3A_60 = vector.load %arg0[%get3A_57, %get3A_58, %get3A_59] : memref<32x128x144xf32, #tpu.memory_space<vmem>>, vector<1x128x144xf32>
    %get3A_61 = vector.shape_cast %get3A_60 : vector<1x128x144xf32> to vector<128x144xf32>
    %add3A_62 = arith.addf %add3A_56, %get3A_61 : vector<128x144xf32>
    %get3A_63 = arith.constant 11 : index
    %get3A_64 = arith.constant 0 : index
    %get3A_65 = arith.constant 0 : index
    %get3A_66 = vector.load %arg0[%get3A_63, %get3A_64, %get3A_65] : memref<32x128x144xf32, #tpu.memory_space<vmem>>, vector<1x128x144xf32>
    %get3A_67 = vector.shape_cast %get3A_66 : vector<1x128x144xf32> to vector<128x144xf32>
    %add3A_68 = arith.addf %add3A_62, %get3A_67 : vector<128x144xf32>
    %get3A_69 = arith.constant 12 : index
    %get3A_70 = arith.constant 0 : index
    %get3A_71 = arith.constant 0 : index
    %get3A_72 = vector.load %arg0[%get3A_69, %get3A_70, %get3A_71] : memref<32x128x144xf32, #tpu.memory_space<vmem>>, vector<1x128x144xf32>
    %get3A_73 = vector.shape_cast %get3A_72 : vector<1x128x144xf32> to vector<128x144xf32>
    %add3A_74 = arith.addf %add3A_68, %get3A_73 : vector<128x144xf32>
    %get3A_75 = arith.constant 13 : index
    %get3A_76 = arith.constant 0 : index
    %get3A_77 = arith.constant 0 : index
    %get3A_78 = vector.load %arg0[%get3A_75, %get3A_76, %get3A_77] : memref<32x128x144xf32, #tpu.memory_space<vmem>>, vector<1x128x144xf32>
    %get3A_79 = vector.shape_cast %get3A_78 : vector<1x128x144xf32> to vector<128x144xf32>
    %add3A_80 = arith.addf %add3A_74, %get3A_79 : vector<128x144xf32>
    %get3A_81 = arith.constant 14 : index
    %get3A_82 = arith.constant 0 : index
    %get3A_83 = arith.constant 0 : index
    %get3A_84 = vector.load %arg0[%get3A_81, %get3A_82, %get3A_83] : memref<32x128x144xf32, #tpu.memory_space<vmem>>, vector<1x128x144xf32>
    %get3A_85 = vector.shape_cast %get3A_84 : vector<1x128x144xf32> to vector<128x144xf32>
    %add3A_86 = arith.addf %add3A_80, %get3A_85 : vector<128x144xf32>
    %get3A_87 = arith.constant 15 : index
    %get3A_88 = arith.constant 0 : index
    %get3A_89 = arith.constant 0 : index
    %get3A_90 = vector.load %arg0[%get3A_87, %get3A_88, %get3A_89] : memref<32x128x144xf32, #tpu.memory_space<vmem>>, vector<1x128x144xf32>
    %get3A_91 = vector.shape_cast %get3A_90 : vector<1x128x144xf32> to vector<128x144xf32>
    %add3A_92 = arith.addf %add3A_86, %get3A_91 : vector<128x144xf32>
    %get3A_93 = arith.constant 16 : index
    %get3A_94 = arith.constant 0 : index
    %get3A_95 = arith.constant 0 : index
    %get3A_96 = vector.load %arg0[%get3A_93, %get3A_94, %get3A_95] : memref<32x128x144xf32, #tpu.memory_space<vmem>>, vector<1x128x144xf32>
    %get3A_97 = vector.shape_cast %get3A_96 : vector<1x128x144xf32> to vector<128x144xf32>
    %add3A_98 = arith.addf %add3A_92, %get3A_97 : vector<128x144xf32>
    %get3A_99 = arith.constant 17 : index
    %get3A_100 = arith.constant 0 : index
    %get3A_101 = arith.constant 0 : index
    %get3A_102 = vector.load %arg0[%get3A_99, %get3A_100, %get3A_101] : memref<32x128x144xf32, #tpu.memory_space<vmem>>, vector<1x128x144xf32>
    %get3A_103 = vector.shape_cast %get3A_102 : vector<1x128x144xf32> to vector<128x144xf32>
    %add3A_104 = arith.addf %add3A_98, %get3A_103 : vector<128x144xf32>
    %get3A_105 = arith.constant 18 : index
    %get3A_106 = arith.constant 0 : index
    %get3A_107 = arith.constant 0 : index
    %get3A_108 = vector.load %arg0[%get3A_105, %get3A_106, %get3A_107] : memref<32x128x144xf32, #tpu.memory_space<vmem>>, vector<1x128x144xf32>
    %get3A_109 = vector.shape_cast %get3A_108 : vector<1x128x144xf32> to vector<128x144xf32>
    %add3A_110 = arith.addf %add3A_104, %get3A_109 : vector<128x144xf32>
    %get3A_111 = arith.constant 19 : index
    %get3A_112 = arith.constant 0 : index
    %get3A_113 = arith.constant 0 : index
    %get3A_114 = vector.load %arg0[%get3A_111, %get3A_112, %get3A_113] : memref<32x128x144xf32, #tpu.memory_space<vmem>>, vector<1x128x144xf32>
    %get3A_115 = vector.shape_cast %get3A_114 : vector<1x128x144xf32> to vector<128x144xf32>
    %add3A_116 = arith.addf %add3A_110, %get3A_115 : vector<128x144xf32>
    %get3A_117 = arith.constant 20 : index
    %get3A_118 = arith.constant 0 : index
    %get3A_119 = arith.constant 0 : index
    %get3A_120 = vector.load %arg0[%get3A_117, %get3A_118, %get3A_119] : memref<32x128x144xf32, #tpu.memory_space<vmem>>, vector<1x128x144xf32>
    %get3A_121 = vector.shape_cast %get3A_120 : vector<1x128x144xf32> to vector<128x144xf32>
    %add3A_122 = arith.addf %add3A_116, %get3A_121 : vector<128x144xf32>
    %get3A_123 = arith.constant 21 : index
    %get3A_124 = arith.constant 0 : index
    %get3A_125 = arith.constant 0 : index
    %get3A_126 = vector.load %arg0[%get3A_123, %get3A_124, %get3A_125] : memref<32x128x144xf32, #tpu.memory_space<vmem>>, vector<1x128x144xf32>
    %get3A_127 = vector.shape_cast %get3A_126 : vector<1x128x144xf32> to vector<128x144xf32>
    %add3A_128 = arith.addf %add3A_122, %get3A_127 : vector<128x144xf32>
    %get3A_129 = arith.constant 22 : index
    %get3A_130 = arith.constant 0 : index
    %get3A_131 = arith.constant 0 : index
    %get3A_132 = vector.load %arg0[%get3A_129, %get3A_130, %get3A_131] : memref<32x128x144xf32, #tpu.memory_space<vmem>>, vector<1x128x144xf32>
    %get3A_133 = vector.shape_cast %get3A_132 : vector<1x128x144xf32> to vector<128x144xf32>
    %add3A_134 = arith.addf %add3A_128, %get3A_133 : vector<128x144xf32>
    %get3A_135 = arith.constant 23 : index
    %get3A_136 = arith.constant 0 : index
    %get3A_137 = arith.constant 0 : index
    %get3A_138 = vector.load %arg0[%get3A_135, %get3A_136, %get3A_137] : memref<32x128x144xf32, #tpu.memory_space<vmem>>, vector<1x128x144xf32>
    %get3A_139 = vector.shape_cast %get3A_138 : vector<1x128x144xf32> to vector<128x144xf32>
    %add3A_140 = arith.addf %add3A_134, %get3A_139 : vector<128x144xf32>
    %get3A_141 = arith.constant 24 : index
    %get3A_142 = arith.constant 0 : index
    %get3A_143 = arith.constant 0 : index
    %get3A_144 = vector.load %arg0[%get3A_141, %get3A_142, %get3A_143] : memref<32x128x144xf32, #tpu.memory_space<vmem>>, vector<1x128x144xf32>
    %get3A_145 = vector.shape_cast %get3A_144 : vector<1x128x144xf32> to vector<128x144xf32>
    %add3A_146 = arith.addf %add3A_140, %get3A_145 : vector<128x144xf32>
    %get3A_147 = arith.constant 25 : index
    %get3A_148 = arith.constant 0 : index
    %get3A_149 = arith.constant 0 : index
    %get3A_150 = vector.load %arg0[%get3A_147, %get3A_148, %get3A_149] : memref<32x128x144xf32, #tpu.memory_space<vmem>>, vector<1x128x144xf32>
    %get3A_151 = vector.shape_cast %get3A_150 : vector<1x128x144xf32> to vector<128x144xf32>
    %add3A_152 = arith.addf %add3A_146, %get3A_151 : vector<128x144xf32>
    %get3A_153 = arith.constant 26 : index
    %get3A_154 = arith.constant 0 : index
    %get3A_155 = arith.constant 0 : index
    %get3A_156 = vector.load %arg0[%get3A_153, %get3A_154, %get3A_155] : memref<32x128x144xf32, #tpu.memory_space<vmem>>, vector<1x128x144xf32>
    %get3A_157 = vector.shape_cast %get3A_156 : vector<1x128x144xf32> to vector<128x144xf32>
    %add3A_158 = arith.addf %add3A_152, %get3A_157 : vector<128x144xf32>
    %get3A_159 = arith.constant 27 : index
    %get3A_160 = arith.constant 0 : index
    %get3A_161 = arith.constant 0 : index
    %get3A_162 = vector.load %arg0[%get3A_159, %get3A_160, %get3A_161] : memref<32x128x144xf32, #tpu.memory_space<vmem>>, vector<1x128x144xf32>
    %get3A_163 = vector.shape_cast %get3A_162 : vector<1x128x144xf32> to vector<128x144xf32>
    %add3A_164 = arith.addf %add3A_158, %get3A_163 : vector<128x144xf32>
    %get3A_165 = arith.constant 28 : index
    %get3A_166 = arith.constant 0 : index
    %get3A_167 = arith.constant 0 : index
    %get3A_168 = vector.load %arg0[%get3A_165, %get3A_166, %get3A_167] : memref<32x128x144xf32, #tpu.memory_space<vmem>>, vector<1x128x144xf32>
    %get3A_169 = vector.shape_cast %get3A_168 : vector<1x128x144xf32> to vector<128x144xf32>
    %add3A_170 = arith.addf %add3A_164, %get3A_169 : vector<128x144xf32>
    %get3A_171 = arith.constant 29 : index
    %get3A_172 = arith.constant 0 : index
    %get3A_173 = arith.constant 0 : index
    %get3A_174 = vector.load %arg0[%get3A_171, %get3A_172, %get3A_173] : memref<32x128x144xf32, #tpu.memory_space<vmem>>, vector<1x128x144xf32>
    %get3A_175 = vector.shape_cast %get3A_174 : vector<1x128x144xf32> to vector<128x144xf32>
    %add3A_176 = arith.addf %add3A_170, %get3A_175 : vector<128x144xf32>
    %get3A_177 = arith.constant 30 : index
    %get3A_178 = arith.constant 0 : index
    %get3A_179 = arith.constant 0 : index
    %get3A_180 = vector.load %arg0[%get3A_177, %get3A_178, %get3A_179] : memref<32x128x144xf32, #tpu.memory_space<vmem>>, vector<1x128x144xf32>
    %get3A_181 = vector.shape_cast %get3A_180 : vector<1x128x144xf32> to vector<128x144xf32>
    %add3A_182 = arith.addf %add3A_176, %get3A_181 : vector<128x144xf32>
    %get3A_183 = arith.constant 31 : index
    %get3A_184 = arith.constant 0 : index
    %get3A_185 = arith.constant 0 : index
    %get3A_186 = vector.load %arg0[%get3A_183, %get3A_184, %get3A_185] : memref<32x128x144xf32, #tpu.memory_space<vmem>>, vector<1x128x144xf32>
    %get3A_187 = vector.shape_cast %get3A_186 : vector<1x128x144xf32> to vector<128x144xf32>
    %add3A_188 = arith.addf %add3A_182, %get3A_187 : vector<128x144xf32>
    %iota3A = tpu.iota {dimensions = array<i32: 0>} : vector<144x16xi32>
    %jit3A = arith.constant 16 : i32
    %div3A = vector.broadcast %jit3A : i32 to vector<144x16xi32>
    %div3A_189 = arith.divsi %iota3A, %div3A : vector<144x16xi32>
    %sign3A = arith.constant 0 : i32
    %sign3A_190 = vector.broadcast %sign3A : i32 to vector<144x16xi32>
    %sign3A_191 = arith.cmpi sgt, %iota3A, %sign3A_190 : vector<144x16xi32>
    %sign3A_192 = arith.extui %sign3A_191 : vector<144x16xi1> to vector<144x16xi32>
    %sign3A_193 = arith.constant 0 : i32
    %sign3A_194 = vector.broadcast %sign3A_193 : i32 to vector<144x16xi32>
    %sign3A_195 = arith.cmpi slt, %iota3A, %sign3A_194 : vector<144x16xi32>
    %sign3A_196 = arith.extui %sign3A_195 : vector<144x16xi1> to vector<144x16xi32>
    %sign3A_197 = arith.subi %sign3A_192, %sign3A_196 : vector<144x16xi32>
    %sign3A_198 = arith.constant 0 : i32
    %sign3A_199 = arith.cmpi sgt, %jit3A, %sign3A_198 : i32
    %sign3A_200 = arith.extui %sign3A_199 : i1 to i32
    %sign3A_201 = arith.constant 0 : i32
    %sign3A_202 = arith.cmpi slt, %jit3A, %sign3A_201 : i32
    %sign3A_203 = arith.extui %sign3A_202 : i1 to i32
    %sign3A_204 = arith.subi %sign3A_200, %sign3A_203 : i32
    %ne3A = vector.broadcast %sign3A_204 : i32 to vector<144x16xi32>
    %ne3A_205 = arith.cmpi ne, %sign3A_197, %ne3A : vector<144x16xi32>
    %rem3A = vector.broadcast %jit3A : i32 to vector<144x16xi32>
    %rem3A_206 = arith.remsi %iota3A, %rem3A : vector<144x16xi32>
    %ne3A_207 = arith.constant 0 : i32
    %ne3A_208 = vector.broadcast %ne3A_207 : i32 to vector<144x16xi32>
    %ne3A_209 = arith.cmpi ne, %rem3A_206, %ne3A_208 : vector<144x16xi32>
    %and3A = arith.andi %ne3A_205, %ne3A_209 : vector<144x16xi1>
    %sub3A = arith.constant 1 : i32
    %sub3A_210 = vector.broadcast %sub3A : i32 to vector<144x16xi32>
    %sub3A_211 = arith.subi %div3A_189, %sub3A_210 : vector<144x16xi32>
    %select_n3A = arith.select %and3A, %sub3A_211, %div3A_189 : vector<144x16xi1>, vector<144x16xi32>
    %iota3A_212 = tpu.iota {dimensions = array<i32: 1>} : vector<144x16xi32>
    %eq3A = arith.cmpi eq, %select_n3A, %iota3A_212 : vector<144x16xi32>
    %convert_element_type3A = arith.extui %eq3A : vector<144x16xi1> to vector<144x16xi32>
    %convert_element_type3A_213 = arith.sitofp %convert_element_type3A : vector<144x16xi32> to vector<144x16xf32>
    %dot_general3A = arith.constant dense<0.000000e+00> : vector<128x16xf32>
    %dot_general3A_214 = tpu.matmul %add3A_188, %convert_element_type3A_213, %dot_general3A {dimension_numbers = #tpu.dot_dimension_numbers<[1], [0], [0], [1], [0, 0, 1, 1], [], []>, transpose_lhs_hint = false} : vector<128x144xf32>, vector<144x16xf32>, vector<128x16xf32> -> vector<128x16xf32>
    %get3A_215 = arith.constant 0 : index
    %get3A_216 = arith.constant 0 : index
    %get3A_217 = vector.load %arg1[%get3A_215, %get3A_216] : memref<128x16xf32, #tpu.memory_space<vmem>>, vector<128x16xf32>
    %add3A_218 = arith.addf %dot_general3A_214, %get3A_217 : vector<128x16xf32>
    %iota3A_219 = tpu.iota {dimensions = array<i32: 1>} : vector<16x36xi32>
    %jit3A_220 = arith.constant 4 : i32
    %div3A_221 = vector.broadcast %jit3A_220 : i32 to vector<16x36xi32>
    %div3A_222 = arith.divsi %iota3A_219, %div3A_221 : vector<16x36xi32>
    %sign3A_223 = arith.constant 0 : i32
    %sign3A_224 = vector.broadcast %sign3A_223 : i32 to vector<16x36xi32>
    %sign3A_225 = arith.cmpi sgt, %iota3A_219, %sign3A_224 : vector<16x36xi32>
    %sign3A_226 = arith.extui %sign3A_225 : vector<16x36xi1> to vector<16x36xi32>
    %sign3A_227 = arith.constant 0 : i32
    %sign3A_228 = vector.broadcast %sign3A_227 : i32 to vector<16x36xi32>
    %sign3A_229 = arith.cmpi slt, %iota3A_219, %sign3A_228 : vector<16x36xi32>
    %sign3A_230 = arith.extui %sign3A_229 : vector<16x36xi1> to vector<16x36xi32>
    %sign3A_231 = arith.subi %sign3A_226, %sign3A_230 : vector<16x36xi32>
    %sign3A_232 = arith.constant 0 : i32
    %sign3A_233 = arith.cmpi sgt, %jit3A_220, %sign3A_232 : i32
    %sign3A_234 = arith.extui %sign3A_233 : i1 to i32
    %sign3A_235 = arith.constant 0 : i32
    %sign3A_236 = arith.cmpi slt, %jit3A_220, %sign3A_235 : i32
    %sign3A_237 = arith.extui %sign3A_236 : i1 to i32
    %sign3A_238 = arith.subi %sign3A_234, %sign3A_237 : i32
    %ne3A_239 = vector.broadcast %sign3A_238 : i32 to vector<16x36xi32>
    %ne3A_240 = arith.cmpi ne, %sign3A_231, %ne3A_239 : vector<16x36xi32>
    %rem3A_241 = vector.broadcast %jit3A_220 : i32 to vector<16x36xi32>
    %rem3A_242 = arith.remsi %iota3A_219, %rem3A_241 : vector<16x36xi32>
    %ne3A_243 = arith.constant 0 : i32
    %ne3A_244 = vector.broadcast %ne3A_243 : i32 to vector<16x36xi32>
    %ne3A_245 = arith.cmpi ne, %rem3A_242, %ne3A_244 : vector<16x36xi32>
    %and3A_246 = arith.andi %ne3A_240, %ne3A_245 : vector<16x36xi1>
    %sub3A_247 = arith.constant 1 : i32
    %sub3A_248 = vector.broadcast %sub3A_247 : i32 to vector<16x36xi32>
    %sub3A_249 = arith.subi %div3A_222, %sub3A_248 : vector<16x36xi32>
    %select_n3A_250 = arith.select %and3A_246, %sub3A_249, %div3A_222 : vector<16x36xi1>, vector<16x36xi32>
    %iota3A_251 = tpu.iota {dimensions = array<i32: 0>} : vector<16x36xi32>
    %eq3A_252 = arith.cmpi eq, %select_n3A_250, %iota3A_251 : vector<16x36xi32>
    %convert_element_type3A_253 = arith.extui %eq3A_252 : vector<16x36xi1> to vector<16x36xi32>
    %convert_element_type3A_254 = arith.sitofp %convert_element_type3A_253 : vector<16x36xi32> to vector<16x36xf32>
    %dot_general3A_255 = arith.constant dense<0.000000e+00> : vector<128x36xf32>
    %dot_general3A_256 = tpu.matmul %add3A_218, %convert_element_type3A_254, %dot_general3A_255 {dimension_numbers = #tpu.dot_dimension_numbers<[1], [0], [0], [1], [0, 0, 1, 1], [], []>, transpose_lhs_hint = false} : vector<128x16xf32>, vector<16x36xf32>, vector<128x36xf32> -> vector<128x36xf32>
    %get3A_257 = arith.constant 0 : index
    %get3A_258 = vector.load %arg2[%get3A_257] : memref<80xf32, #tpu.memory_space<vmem>>, vector<36xf32>
    %reshape3A = vector.shape_cast %get3A_258 : vector<36xf32> to vector<1x36xf32>
    %get3A_259 = arith.constant 36 : index
    %get3A_260 = vector.load %arg2[%get3A_259] : memref<80xf32, #tpu.memory_space<vmem>>, vector<36xf32>
    %reshape3A_261 = vector.shape_cast %get3A_260 : vector<36xf32> to vector<1x36xf32>
    %get3A_262 = arith.constant 72 : index
    %get3A_263 = vector.load %arg2[%get3A_262] : memref<80xf32, #tpu.memory_space<vmem>>, vector<8xf32>
    %reshape3A_264 = vector.shape_cast %get3A_263 : vector<8xf32> to vector<1x8xf32>
    %mul3A = vector.broadcast %reshape3A : vector<1x36xf32> to vector<128x36xf32>
    %mul3A_265 = arith.mulf %dot_general3A_256, %mul3A : vector<128x36xf32>
    %add3A_266 = vector.broadcast %reshape3A_261 : vector<1x36xf32> to vector<128x36xf32>
    %add3A_267 = arith.addf %mul3A_265, %add3A_266 : vector<128x36xf32>
    %get3A_268 = arith.constant 0 : index
    %get3A_269 = arith.constant 0 : index
    %get3A_270 = vector.load %arg3[%get3A_268, %get3A_269] : memref<36x8xf32, #tpu.memory_space<vmem>>, vector<36x8xf32>
    %dot_general3A_271 = arith.constant dense<0.000000e+00> : vector<128x8xf32>
    %dot_general3A_272 = tpu.matmul %add3A_267, %get3A_270, %dot_general3A_271 {dimension_numbers = #tpu.dot_dimension_numbers<[1], [0], [0], [1], [0, 0, 1, 1], [], []>, transpose_lhs_hint = false} : vector<128x36xf32>, vector<36x8xf32>, vector<128x8xf32> -> vector<128x8xf32>
    %add3A_273 = vector.broadcast %reshape3A_264 : vector<1x8xf32> to vector<128x8xf32>
    %add3A_274 = arith.addf %dot_general3A_272, %add3A_273 : vector<128x8xf32>
    %swap3A = arith.constant 0 : index
    %swap3A_275 = arith.constant 0 : index
    %swap3A_276 = vector.load %arg4[%swap3A, %swap3A_275] : memref<128x8xf32, #tpu.memory_space<vmem>>, vector<128x8xf32>
    tpu.vector_store %arg4[%swap3A, %swap3A_275], %add3A_274 {strides = array<i32>} : memref<128x8xf32, #tpu.memory_space<vmem>>, vector<128x8xf32>,
    return
  }
}

</mosaic_0001>

<sc_bundles>
// kernel: kernel.5.cloned.1.call-start
scs
__scs_entry_jumppad:
0x0: {  	(pc) =	sbr.rel $0x88, $3  }
0x1: {  	(tag) =	ssettag $0x0;
	lr =	simm.s32 $0x1  }
0x2: {  	[smem:$0x3F9B] =	sst lr;
	_ =	strace $0xD0000000  }
0x3: {  	_ = 	snop  }
0x4: {  	_ = 	snop  }
0x5: {  	_ = 	snop  }
0x6: {  	_ = 	snop  }
0x7: {  	_ = 	snop  }
__scs_overlays_trampoline_lowered:
0x8: {  	[smem:$0x3FAA] =	sst s0  }
0x9: {  	[smem:$0x3FAB] =	sst s1  }
0xa: {  	[smem:$0x3FAC] =	sst s2  }
0xb: {  	[smem:$0x3FAD] =	sst s3  }
0xc: {  	[smem:$0x3FAE] =	sst s4  }
0xd: {  	[smem:$0x3FAF] =	sst s5  }
0xe: {  	[smem:$0x3FB0] =	sst s6  }
0xf: {  	[smem:$0x3FB1] =	sst s7  }
0x10: {  	[smem:$0x3FB2] =	sst s8  }
0x11: {  	[smem:$0x3FB3] =	sst s9;
	s0 =	simm.s32 @!p0 $0x0  }
0x12: {  	s1 =	sld [smem:$0x3F99];
	s0 =	simm.s32 @p0 $0x1  }
0x13: {  	[smem:$0x3FB4] =	sst s0;
	s0 =	simm.s32 @!p1 $0x0  }
0x14: {  	s2 =	sld [smem:$0x3F98];
	s0 =	simm.s32 @p1 $0x1  }
0x15: {  	[smem:$0x3FB5] =	sst s0;
	s0 =	simm.s32 @!p2 $0x0  }
0x16: {  	s3 =	sld [smem:$0x3FDB];
	s0 =	simm.s32 @p2 $0x1  }
0x17: {  	s4 =	simm.s32 $0x1BF5;
	[smem:$0x3FB7] =	sst s0  }
0x18: {  	s0 =	sld [smem:$0x3F9A];
	_ =	swait.ge [sflag:s4], $0x0  }
0x19: {  	s7 =	sld [smem:$0x3F9B]  }
0x1a: {  	s8 =	sadd.s32 $0xFFFFE003, lr  }
0x1b: {  	s9 =	sadd.s32 $0xFFFFFEF7, lr;
	s5 =	simm.s32 $0xFFFFFFFF;
	p2 =	slt.u32 s8, $0xFFFFF086  }
0x1c: {  	p1 =	slt.u32 s9, $0xF7A;
	s5 =	simm.s32 @!p2 $0x0  }
0x1d: {  	s5 =	simm.s32 @p1 $0x1;
	p0 =	seq.s32 s7, s2  }
0x1e: {  	s7 =	smul.u32 @!p0 $0xF7A, s2;
	p2 =	seq.s32 @!p0 s5, $0x0  }
0x1f: {  	s9 =	smul.u32 $0xF7A, s1;
	s8 =	simm.s32 @!p0 $0x1BF5;
	p2 =	por !p2, p0  }
0x20: {  	[sflag:s8] =	ssyncset.s32 @!p0 $0xFFFFF086;
	s6 =	sadd.s32 @!p0 s3, s7;
	s7 =	simm.s32 @!p0 $0x108  }
0x21: {  	s3 =	sadd.s32 s3, s9;
	s6 =	sadd.s32 @!p0 $0x88, s6;
	s7 =	simm.s32 @p2 $0x1082  }
0x22: {  	[simem:s7], [sflag:s8] =	dma.local @!p0 [hbm:s6], $0xF7A  }
0x23: {  	s9 =	sor.u32 $0xD0000000, s2;
	s6 =	simm.s32 $0x108;
	_ =	swait.ge @!p0 [sflag:s8], $0x0  }
0x24: {  	s3 =	sadd.s32 $0x88, s3;
	s6 =	simm.s32 @!p1 $0x1082;
	[sflag:s4] =	ssyncset.s32 $0xFFFFF086  }
0x25: {  	[simem:s6], [sflag:s4] =	dma.local [hbm:s3], $0xF7A  }
0x26: {  	[smem:$0x3F9B] =	sst s1;
	(tag) =	ssettag s2;
	_ =	strace s9  }
0x27: {  	s1 =	sld [smem:$0x3FAB]  }
0x28: {  	s2 =	sld [smem:$0x3FAC]  }
0x29: {  	s4 =	sld [smem:$0x3FAE]  }
0x2a: {  	p0 =	seq.s32 s5, $0x0;
	s5 =	sld [smem:$0x3FAF]  }
0x2b: {  	s6 =	sld [smem:$0x3FB0]  }
0x2c: {  	s7 =	sld [smem:$0x3FB1]  }
0x2d: {  	s3 =	simm.s32 $0x108;
	s8 =	sld [smem:$0x3FB2]  }
0x2e: {  	s3 =	simm.s32 @!p0 $0x1082;
	s9 =	sld [smem:$0x3FB3]  }
0x2f: {  	lr =	sadd.s32 s0, s3;
	s0 =	sld [smem:$0x3FAA]  }
0x30: {  	s3 =	sld [smem:$0x3FAD]  }
0x31: {  	[smem:$0x3FB6] =	sst s10  }
0x32: {  	s10 =	sld [smem:$0x3FB4];
	_ =	sdelay $0x3  }
0x33: {  	p0 =	seq.s32 s10, $0x1;
	s10 =	sld [smem:$0x3FB6];
	_ =	sdelay $0x3  }
0x34: {  	[smem:$0x3FB6] =	sst s10  }
0x35: {  	s10 =	sld [smem:$0x3FB5];
	_ =	sdelay $0x3  }
0x36: {  	p1 =	seq.s32 s10, $0x1;
	s10 =	sld [smem:$0x3FB6];
	_ =	sdelay $0x3  }
0x37: {  	[smem:$0x3FB6] =	sst s10  }
0x38: {  	s10 =	sld [smem:$0x3FB7]  }
0x39: {  	_ = 	snop;
	(pc) =	sbr.ind lr, $3  }
0x3a: {  	_ = 	snop  }
0x3b: {  	_ = 	snop  }
0x3c: {  	p2 =	seq.s32 s10, $0x1;
	s10 =	sld [smem:$0x3FB6]  }
0x3d: {  	_ =	shalt  }
0x3e: {  	_ =	shalt  }
0x3f: {  	_ =	shalt  }
0x40: {  	_ =	shalt  }
0x41: {  	_ =	shalt  }
0x42: {  	_ =	shalt  }
0x43: {  	_ =	shalt  }
0x44: {  	_ =	shalt  }
0x45: {  	_ =	shalt  }
0x46: {  	_ =	shalt  }
0x47: {  	_ =	shalt  }
0x48: {  	_ =	shalt  }
0x49: {  	_ =	shalt  }
0x4a: {  	_ =	shalt  }
0x4b: {  	_ =	shalt  }
0x4c: {  	_ =	shalt  }
0x4d: {  	_ =	shalt  }
0x4e: {  	_ =	shalt  }
0x4f: {  	_ =	shalt  }
0x50: {  	_ =	shalt  }
0x51: {  	_ =	shalt  }
0x52: {  	_ =	shalt  }
0x53: {  	_ =	shalt  }
0x54: {  	_ =	shalt  }
0x55: {  	_ =	shalt  }
0x56: {  	_ =	shalt  }
0x57: {  	_ =	shalt  }
0x58: {  	_ =	shalt  }
0x59: {  	_ =	shalt  }
0x5a: {  	_ =	shalt  }
0x5b: {  	_ =	shalt  }
0x5c: {  	_ =	shalt  }
0x5d: {  	_ =	shalt  }
0x5e: {  	_ =	shalt  }
0x5f: {  	_ =	shalt  }
0x60: {  	_ =	shalt  }
0x61: {  	_ =	shalt  }
0x62: {  	_ =	shalt  }
0x63: {  	_ =	shalt  }
0x64: {  	_ =	shalt  }
0x65: {  	_ =	shalt  }
0x66: {  	_ =	shalt  }
0x67: {  	_ =	shalt  }
0x68: {  	_ =	shalt  }
0x69: {  	_ =	shalt  }
0x6a: {  	_ =	shalt  }
0x6b: {  	_ =	shalt  }
0x6c: {  	_ =	shalt  }
0x6d: {  	_ =	shalt  }
0x6e: {  	_ =	shalt  }
0x6f: {  	_ =	shalt  }
0x70: {  	_ =	shalt  }
0x71: {  	_ =	shalt  }
0x72: {  	_ =	shalt  }
0x73: {  	_ =	shalt  }
0x74: {  	_ =	shalt  }
0x75: {  	_ =	shalt  }
0x76: {  	_ =	shalt  }
0x77: {  	_ =	shalt  }
0x78: {  	_ =	shalt  }
0x79: {  	_ =	shalt  }
0x7a: {  	_ =	shalt  }
0x7b: {  	_ =	shalt  }
0x7c: {  	_ =	shalt  }
0x7d: {  	_ =	shalt  }
0x7e: {  	_ =	shalt  }
0x7f: {  	_ =	shalt  }
0x80: {  	_ =	shalt  }
0x81: {  	_ =	shalt  }
0x82: {  	_ =	shalt  }
0x83: {  	_ =	shalt  }
0x84: {  	_ =	shalt  }
0x85: {  	_ =	shalt  }
0x86: {  	_ =	shalt  }
0x87: {  	_ =	shalt  }
.Lfunc_end0:
.L_simem_size_0:
called_computation_lowered:
.L_overlay_start_0:
0x88: {  	s2 =	sld [smem:$0x3FD9]  }
0x89: {  	s3 =	sld [smem:$0x3FFE];
	_ =	sdelay $0x1  }
0x8a: {  	s1 =	srdreg.scid  }
0x8b: {  	s0 =	sand.u32 $0x1, s1  }
0x8c: {  	s17 =	sshll.u32 s0, $0xA;
	s2 =	sadd.s32 s3, s2  }
0x8d: {  	s2 =	sadd.s32 s2, s17  }
0x8e: {  	[smem:$0x3FC2] =	sst s2  }
0x8f: {  	_ = 	snop  }
0x90: {  	s2 =	sld [smem:$0x3FC9]  }
0x91: {  	s18 =	sld [smem:$0x3FC8];
	(tm) =	ssettm $0x1  }
0x92: {  	s4 =	sld [smem:$0x3FFB];
	_ =	sdelay $0x3  }
0x93: {  	_ =	strace s4  }
0x94: {  	s4 =	sld [smem:$0x3FFC];
	_ =	sdelay $0x3  }
0x95: {  	_ =	strace s4  }
0x96: {  	s4 =	sld [smem:$0x3FFD];
	_ =	sdelay $0x3  }
0x97: {  	_ =	strace s4  }
0x98: {  	_ =	strace $0x8FFFFFFF  }
0x99: {  	s19 =	sld [smem:$0x3FDB];
	_ =	sdelay $0x1  }
0x9a: {  	s5 =	simm.s32 $_scs_section_size  }
0x9b: {  	s6 =	simm.s32 $_size__tile_overlayer_lowered;
	s7 =	simm.s32 $_tile_overlayer_lowered  }
0x9c: {  	s22 =	simm.s32 $0x1BFF;
	s21 =	sshll.u32 s7, $0x1;
	s4 =	sadd.s32 s5, s19  }
0x9d: {  	s8 =	simm.s32 $0x0;
	s20 =	sshll.u32 s6, $0x1;
	s6 =	sadd.s32 s21, s4  }
0x9e: {  	[timem:s8], [sflag:s22] =	dma.local [hbm:s6], s20  }
0x9f: {  	_ =	swait.ge [sflag:s22], s20  }
0xa0: {  	s5 =	ssub.s32 $0x0, s20;
	[sflag:s22] =	ssyncset.done $0x0  }
0xa1: {  	[sflag:s22] =	ssyncadd.s32 s5;
	_ =	sdelay $0x1  }
0xa2: {  	s23 =	simm.s32 $0x1B8B  }
0xa3: {  	_ =	swait.ge [sflag:s23], $0x1  }
0xa4: {  	[sflag:s23] =	ssyncset.done $0x0  }
0xa5: {  	s25 =	simm.s32 $0x1B8E;
	s24 =	sld [smem:$0x3FFE];
	[sflag:s23] =	ssyncadd.s32 $0xFFFFFFFF  }
0xa6: {  	s26 =	simm.s32 $execute0_lowered;
	[smem:$0x3FD2] =	sst s25  }
0xa7: {  	s6 =	sshll.u32 s26, $0x1;
	_ =	strace $0x80000046;
	[dreg:$0x1] =	wrdreg $0xFFFFFFFF  }
0xa8: {  	s28 =	simm.s32 $_size_execute0_lowered;
	s4 =	sadd.s32 s4, s6;
	[dreg:$0x0] =	wrdreg $0x0  }
0xa9: {  	s6 =	sshll.u32 s28, $0x1;
	[dreg:$0x2] =	wrdreg s4  }
0xaa: {  	[dreg:$0x3] =	wrdreg s6  }
0xab: {  	[dreg:$0x4] =	wrdreg $0xC0  }
0xac: {  	_ =	task [dreg:s8], $0x5FFFF  }
0xad: {  	[dreg:$0x1] =	wrdreg $0xFFFFFFFF  }
0xae: {  	[dreg:$0x0] =	wrdreg $0x60  }
0xaf: {  	[dreg:$0x2] =	wrdreg s2  }
0xb0: {  	[dreg:$0x3] =	wrdreg s18  }
0xb1: {  	[dreg:$0x4] =	wrdreg s24  }
0xb2: {  	[dreg:$0x5] =	wrdreg $0x9  }
0xb3: {  	_ =	task.clear_ibuf [dreg:s8], $0x6FFFF;
	_ =	strace $0x90000046  }
0xb4: {  	s29 =	simm.s32 $0x9;
	_ =	strace $0x80000048  }
0xb5: {  	_ =	swait.ge [sflag:s29], $0x1  }
0xb6: {  	[sflag:s29] =	ssyncadd.s32 $0xFFFFFFFF  }
0xb7: {  	_ =	strace $0x90000048  }
0xb8: {  	_ =	sfence  }
0xb9: {  	s30 =	sld [smem:$0x0];
	_ =	sdelay $0x2  }
0xba: {  	s31 =	sshll.u32 s1, $0xD;
	s1 =	sshrl.u32 s1, $0x2  }
0xbb: {  	s3 =	sand.u32 $0x4000, s31;
	s1 =	sadd.s32 s1, s30  }
0xbc: {  	s0 =	sor.u32 s3, s0;
	s1 =	sshll.u32 s1, $0x11  }
0xbd: {  	s0 =	sor.u32 s1, s0  }
0xbe: {  	s0 =	sadd.s32 $0x8F2B, s0  }
0xbf: {  	[sflag:s0] =	ssyncadd.remote.s32 $0x1  }
0xc0: {  	_ =	sfence.sel $0xFFFF  }
0xc1: {  	[dreg:$0x0] =	wrdreg $0xFFFFFFFF;
	(pc) =	sbr.abs _section_cstart, $3  }
0xc2: {  	[dreg:$0x1] =	wrdreg $0xFFFFFFFF  }
0xc3: {  	_ =	task.clear_ibuf [dreg:s8], $0x2FFFF;
	_ =	strace $0x9FFFFFFF  }
0xc4: {  	(tm) =	ssettm $0x7FFFFFFF  }
0xc5: {  	_ =	shalt  }
tec
execute0_lowered:
.L_overlay_start_1:
0x0: {  	(tag) =	ssettag $0x1  }
0x1: {  	s1 =	rddreg [dreg:$0x0]  }
0x2: {  	s0 =	rddreg [dreg:$0x1];
	s2 =	srdreg.scid  }
0x3: {  	s3 =	stileid.u32;
	s4 =	rddreg [dreg:$0x2];
	s14 =	simm.s32 $0x9A00  }
0x4: {  	s15 =	simm.s32 $0x10200;
	s16 =	simm.s32 $0x4;
	s17 =	simm.s32 $0x1  }
0x5: {  	s18 =	simm.s32 $0x1A00;
	s19 =	simm.s32 $0x2;
	s22 =	simm.s32 $0x3  }
0x6: {  	s23 =	simm.s32 $0x0;
	s2 =	sand.u32 $0x1, s2;
	s5 =	sshll.u32 s3, $0x1  }
0x7: {  	s3 =	simm.s32 $0x0;
	s4 =	sadd.s32 $0x1000, s4;
	s10 =	sor.u32 s2, s5  }
0x8: {  	[smem:$0x7FF] =	sst s3;
	s2 =	ssub.s32 $0x2, s2;
	s9 =	smul.u32 $0x6800, s10  }
0x9: {  	_ =	strace $0x80000047;
	s6 =	sshrl.u32 s2, $0x1;
	s7 =	smul.u32 $0x1A0, s10  }
0xa: {  	s11 =	sshll.u32 s10, $0xC;
	s10 =	sshll.u32 s10, $0xF;
	s2 =	ssub.s32 s2, s6  }
0xb: {  	s31 =	sadd.s32 s11, s4;
	s29 =	sshrl.u32 s9, $0x3;
	s0 =	sadd.s32 s0, s7  }
0xc: {  	s8 =	sor.u32 $0x400000, s9;
	s9 =	sor.u32 $0x600000, s9;
	s5 =	sadd.s32 s1, s29  }
0xd: {  	v2 =	vimm.s32 $0x0;
	vm0 =	vcmask $0x300;
	s11 =	sadd.s32 $0xE00, s31;
	[dreg:$0x5] =	wrdreg s0;
	s30 =	sadd.s32 $0x40000, s5  }
0xe: {  	v0 =	vlaneseq.u32;
	v1 =	vimm.f32 $0.0e+00;
	v2 =	vsel vm0, $0xB, v2;
	s12 =	sadd.s32 $0xF00, s31;
	s13 =	smax.u32 s2, $0x1;
	[dreg:$0x4] =	wrdreg s30  }
.LBB2_1:
0xf: {  	[tilespmem:s14], [sflag:$0x1] =	stream.linear.gather [hbm4b:s5+s3], $0x6800, $0x38;
	[tilespmem:$0x16A00] =	vst v63  }
0x10: {  	s0 =	rddreg [dreg:$0x4]  }
0x11: {  	[tilespmem:s15], [sflag:$0x2] =	stream.linear.gather [hbm4b:s0+s3], $0x6800, $0x38;
	[tilespmem:$0x16A00] =	vst v63  }
0x12: {  	s31 =	rddreg [dreg:$0x5]  }
0x13: {  	[tilespmem:s3], [sflag:$0x4] =	stream.linear.gather [hbm4b:s31+s3], $0xD00, $0x38;
	[tilespmem:$0x16A00] =	vst v63  }
0x14: {  	_ =	swait.ge [sflag:s16], $0xD00  }
0x15: {  	[sflag:s16] =	ssyncset.done $0x0  }
0x16: {  	s0 =	simm.s32 $0x0;
	[sflag:s16] =	ssyncadd.s32 $0xFFFFF300  }
0x17: {  	v3 =	vld [tilespmem:s0+$0x0]  }
0x18: {  	s2 =	simm.s32 $0x40  }
.LBB2_2:
0x19: {  	p0 =	sne.s32 s2, $0x33C0  }
.Ltmp0:
0x1a: {  	_ = 	snop;
	(pc) =	sbr.rel @p0 .LBB2_2-.Ltmp0, $4  }
0x1b: {  	_ = 	snop  }
0x1c: {  	s24 =	sshra.s32 s2, $0x2;
	s2 =	sadd.s32 $0x40, s2;
	v4 =	vshll.u32 v3, $0x4  }
0x1d: {  	v3 =	vld [tilespmem:s24+$0x0];
	v4 =	vor.u32 v0, v4  }
0x1e: {  	[tilespmem:s0+$0xD00] =	vst v4;
	s0 =	smov.u32 s24  }
0x1f: {  	_ =	sdelay $0x2  }
0x20: {  	s24 =	simm.s32 $0x0;
	v3 =	vshll.u32 v3, $0x4  }
0x21: {  	s2 =	sand.u32 $0x7800, s24;
	s25 =	sand.u32 $0x380, s24;
	v3 =	vor.u32 v0, v3  }
0x22: {  	[tilespmem:s0+$0xD00] =	vst v3;
	s0 =	sor.u32 s25, s2  }
0x23: {  	[tilespmem:s0+$0x1E00] =	vst v1  }
0x24: {  	[tilespmem:s0+$0x1A00] =	vst v1  }
0x25: {  	[tilespmem:s0+$0x1A10] =	vst v1  }
0x26: {  	[tilespmem:s0+$0x1A20] =	vst v1  }
0x27: {  	[tilespmem:s0+$0x1A30] =	vst v1  }
0x28: {  	[tilespmem:s0+$0x1A40] =	vst v1  }
0x29: {  	s31 =	simm.s32 $0x100;
	s2 =	simm.s32 $0x80;
	[tilespmem:s0+$0x1A50] =	vst v1  }
0x2a: {  	s26 =	sand.u32 $0x7800, s31;
	s25 =	simm.s32 $0x200;
	s28 =	sand.u32 $0x380, s2;
	[tilespmem:s0+$0x1A60] =	vst v1  }
.LBB2_4:
0x2b: {  	p0 =	sne.s32 s25, $0x7F00;
	[tilespmem:s0+$0x1A70] =	vst v1;
	s0 =	sor.u32 s28, s26  }
0x2c: {  	[tilespmem:s0+$0x1E00] =	vst v1  }
0x2d: {  	[tilespmem:s0+$0x1A00] =	vst v1  }
0x2e: {  	[tilespmem:s0+$0x1A10] =	vst v1  }
.Ltmp1:
0x2f: {  	[tilespmem:s0+$0x1A20] =	vst v1;
	(pc) =	sbr.rel @p0 .LBB2_4-.Ltmp1, $4  }
0x30: {  	[tilespmem:s0+$0x1A30] =	vst v1  }
0x31: {  	[tilespmem:s0+$0x1A40] =	vst v1  }
0x32: {  	s2 =	sadd.s32 $0x80, s2;
	[tilespmem:s0+$0x1A50] =	vst v1  }
0x33: {  	s26 =	sand.u32 $0x7800, s25;
	s25 =	sadd.s32 $0x100, s25;
	s28 =	sand.u32 $0x380, s2;
	[tilespmem:s0+$0x1A60] =	vst v1  }
0x34: {  	s2 =	sor.u32 s28, s26;
	[tilespmem:s0+$0x1A70] =	vst v1  }
0x35: {  	[tilespmem:s2+$0x1E00] =	vst v1  }
0x36: {  	[tilespmem:s2+$0x1A00] =	vst v1  }
0x37: {  	[tilespmem:s2+$0x1A10] =	vst v1  }
0x38: {  	[tilespmem:s2+$0x1A20] =	vst v1  }
0x39: {  	[tilespmem:s2+$0x1A30] =	vst v1  }
0x3a: {  	[tilespmem:s2+$0x1A40] =	vst v1  }
0x3b: {  	[tilespmem:s2+$0x1A50] =	vst v1  }
0x3c: {  	[tilespmem:s2+$0x1A60] =	vst v1  }
0x3d: {  	[tilespmem:s2+$0x1A70] =	vst v1  }
.LBB2_6:
0x3e: {  	s25 =	simm.s32 $0x0  }
0x3f: {  	_ =	swait.ge [sflag:s17], $0x6800;
	s0 =	sand.u32 $0x60, s25  }
0x40: {  	[sflag:s17] =	ssyncset.done $0x0;
	s28 =	sand.u32 $0xF80, s25;
	s2 =	sor.u32 $0x10, s0  }
0x41: {  	s26 =	sshll.u32 s24, $0x4;
	[sflag:s17] =	ssyncadd.s32 $0xFFFF9800;
	s28 =	sor.u32 s2, s28  }
0x42: {  	v3 =	vmov s26;
	v8 =	vld [tilespmem:s28+$0xD00]  }
0x43: {  	s29 =	sand.u32 $0x7C00, s25;
	v3 =	vshrl.u32 v3, $0x3  }
0x44: {  	s29 =	sadd.s32 $0x9A00, s29;
	v10 =	vshll.u32 v3, v2  }
0x45: {  	s2 =	sor.u32 s2, s29;
	v3 =	vbroadcast v10, $0x0  }
0x46: {  	v4 =	vor.u32 $0x80, v10;
	v5 =	vor.u32 $0x100, v10;
	v6 =	vor.u32 $0x180, v10;
	v11 =	vld [tilespmem:s2+$0x0]  }
0x47: {  	s30 =	sand.u32 $0x3, s25;
	v7 =	vor.u32 $0x200, v10;
	v12 =	vld [tilespmem:s2+$0x80];
	v4 =	vbroadcast v4, $0x0;
	v9 =	vshll.u32 v8, $0x3  }
0x48: {  	s30 =	sshll.u32 s30, $0x5;
	v15 =	vld [tilespmem:s2+$0x100];
	v5 =	vbroadcast v5, $0x0;
	v6 =	vbroadcast v6, $0x0;
	v14 =	vand.u32 $0xFFFFFC00, v9  }
0x49: {  	s30 =	sadd.s32 $0x0, s30;
	v18 =	vld [tilespmem:s2+$0x180];
	v16 =	vand.u32 $0x7F, v8;
	v9 =	vor.u32 $0x280, v10;
	v17 =	vadd.s32 v3, v14  }
0x4a: {  	s28 =	simm.s32 $0xD00;
	v20 =	vld [tilespmem:s2+$0x200];
	s31 =	sadd.s32 $0x10, s30;
	v8 =	vbroadcast v9, $0x0;
	v9 =	vadd.s32 v4, v14;
	v17 =	vor.u32 v16, v17  }
0x4b: {  	v19 =	vor.u32 $0x300, v10;
	v13 =	vld [tilespmem:s28+$0x0];
	v7 =	vbroadcast v7, $0x0;
	s7 =	sor.u32 $0x300, s31;
	v21 =	vor.u32 v16, v9  }
0x4c: {  	s20 =	sor.u32 $0x380, s31;
	v24 =	vld [tilespmem:s7+$0x9A00];
	v10 =	vor.u32 $0x380, v10;
	v22 =	vadd.s32 v5, v14;
	v23 =	vadd.s32 v6, v14  }
0x4d: {  	v26 =	vld [tilespmem:s20+$0x9A00];
	v25 =	vadd.s32 v7, v14;
	v10 =	vbroadcast v10, $0x0;
	v22 =	vor.u32 v16, v22  }
0x4e: {  	v9 =	vbroadcast v19, $0x0;
	v19 =	vld [tilespmem:s2+$0x280];
	v23 =	vor.u32 v16, v23;
	v27 =	vadd.s32 v8, v14  }
0x4f: {  	v25 =	vor.u32 v16, v25;
	[tilespmem:v17+s18+$0x0] =	vst.idx.add.f32.msk $0xffff, v11;
	v11 =	vor.u32 v16, v27  }
0x50: {  	s0 =	sor.u32 s0, s29;
	v17 =	vadd.s32 v9, v14;
	v14 =	vadd.s32 v10, v14;
	[tilespmem:v21+s18+$0x0] =	vst.idx.add.f32.msk $0xffff, v12  }
0x51: {  	v12 =	vor.u32 v16, v17;
	v14 =	vor.u32 v16, v14;
	v16 =	vld [tilespmem:s0+$0x100]  }
0x52: {  	[tilespmem:v22+s18+$0x0] =	vst.idx.add.f32.msk $0xffff, v15  }
0x53: {  	[tilespmem:v23+s18+$0x0] =	vst.idx.add.f32.msk $0xffff, v18  }
0x54: {  	[tilespmem:v25+s18+$0x0] =	vst.idx.add.f32.msk $0xffff, v20  }
0x55: {  	[tilespmem:v11+s18+$0x0] =	vst.idx.add.f32.msk $0xffff, v19  }
0x56: {  	[tilespmem:v12+s18+$0x0] =	vst.idx.add.f32.msk $0xffff, v24  }
0x57: {  	[tilespmem:v14+s18+$0x0] =	vst.idx.add.f32.msk $0xffff, v26;
	v14 =	vshll.u32 v13, $0x3  }
0x58: {  	v17 =	vld [tilespmem:s0+$0x200];
	v14 =	vand.u32 $0xFFFFFC00, v14  }
0x59: {  	v22 =	vld [tilespmem:s0+$0x0];
	v13 =	vand.u32 $0x7F, v13;
	v15 =	vadd.s32 v3, v14  }
0x5a: {  	s21 =	sor.u32 $0x300, s30;
	v23 =	vld [tilespmem:s0+$0x80];
	v62 =	vor.u32 v13, v15;
	v15 =	vadd.s32 v4, v14  }
0x5b: {  	s30 =	sor.u32 $0x380, s30;
	v11 =	vld [tilespmem:s21+$0x9A00];
	v18 =	vadd.s32 v5, v14;
	v63 =	vor.u32 v13, v15  }
0x5c: {  	v12 =	vld [tilespmem:s30+$0x9A00];
	v19 =	vadd.s32 v6, v14;
	v21 =	vor.u32 v13, v18  }
0x5d: {  	v20 =	vadd.s32 v7, v14;
	v19 =	vor.u32 v13, v19;
	v15 =	vld [tilespmem:s0+$0x180]  }
0x5e: {  	v18 =	vld [tilespmem:s0+$0x280];
	v20 =	vor.u32 v13, v20  }
0x5f: {  	[tilespmem:v62+s18+$0x0] =	vst.idx.add.f32.msk $0xffff, v22;
	v22 =	vadd.s32 v8, v14  }
0x60: {  	s29 =	simm.s32 $0x0;
	s31 =	simm.s32 $0x0;
	s30 =	simm.s32 $0x20;
	[tilespmem:v63+s18+$0x0] =	vst.idx.add.f32.msk $0xffff, v23;
	v22 =	vor.u32 v13, v22;
	v23 =	vadd.s32 v9, v14  }
.LBB2_7:
0x61: {  	s0 =	sand.u32 $0x60, s30;
	[tilespmem:v21+s18+$0x0] =	vst.idx.add.f32.msk $0xffff, v16;
	v16 =	vor.u32 v13, v23;
	v14 =	vadd.s32 v10, v14  }
0x62: {  	s2 =	sand.u32 $0xF80, s30;
	s20 =	sor.u32 $0x10, s0;
	[tilespmem:v19+s18+$0x0] =	vst.idx.add.f32.msk $0xffff, v15;
	v13 =	vor.u32 v13, v14  }
0x63: {  	s2 =	sor.u32 s20, s2;
	[tilespmem:v20+s18+$0x0] =	vst.idx.add.f32.msk $0xffff, v17  }
0x64: {  	v14 =	vld [tilespmem:s2+$0xD00]  }
0x65: {  	s25 =	sadd.s32 $0x100, s25;
	[tilespmem:v22+s18+$0x0] =	vst.idx.add.f32.msk $0xffff, v18  }
0x66: {  	s2 =	sand.u32 $0x7C00, s25;
	[tilespmem:v16+s18+$0x0] =	vst.idx.add.f32.msk $0xffff, v11  }
0x67: {  	s28 =	sadd.s32 $0x20, s28;
	s21 =	sadd.s32 $0x9A00, s2;
	[tilespmem:v13+s18+$0x0] =	vst.idx.add.f32.msk $0xffff, v12  }
0x68: {  	s29 =	sadd.s32 $0x2, s29;
	s2 =	sor.u32 s0, s21;
	s0 =	sor.u32 s20, s21;
	v13 =	vld [tilespmem:s28+$0x0]  }
0x69: {  	s31 =	sadd.s32 $0x1, s31;
	p0 =	slt.u32 s29, $0xCE;
	v11 =	vld [tilespmem:s0+$0x0];
	v12 =	vshll.u32 v14, $0x3  }
0x6a: {  	s20 =	sand.u32 $0x3, s31;
	v15 =	vld [tilespmem:s0+$0x80];
	v12 =	vand.u32 $0xFFFFFC00, v12  }
0x6b: {  	s20 =	sshll.u32 s20, $0x5;
	v14 =	vand.u32 $0x7F, v14;
	v16 =	vld [tilespmem:s0+$0x100];
	v17 =	vadd.s32 v3, v12  }
0x6c: {  	s20 =	sadd.s32 s20, s25;
	v19 =	vadd.s32 v4, v12;
	v18 =	vld [tilespmem:s0+$0x180];
	v17 =	vor.u32 v14, v17  }
0x6d: {  	s21 =	sor.u32 $0x300, s20;
	s6 =	sor.u32 $0x380, s20;
	s20 =	sadd.s32 $0x10, s20;
	v21 =	vadd.s32 v5, v12;
	v19 =	vor.u32 v14, v19;
	v20 =	vld [tilespmem:s0+$0x200]  }
0x6e: {  	v23 =	vadd.s32 v6, v12;
	v21 =	vor.u32 v14, v21;
	v22 =	vld [tilespmem:s0+$0x280];
	s0 =	sor.u32 $0x300, s20  }
0x6f: {  	v25 =	vadd.s32 v7, v12;
	v23 =	vor.u32 v14, v23;
	v24 =	vld [tilespmem:s0+$0x9A00];
	s0 =	sor.u32 $0x380, s20  }
0x70: {  	v27 =	vadd.s32 v8, v12;
	v25 =	vor.u32 v14, v25;
	v26 =	vld [tilespmem:s0+$0x9A00]  }
0x71: {  	[tilespmem:v17+s18+$0x0] =	vst.idx.add.f32.msk $0xffff, v11;
	v11 =	vor.u32 v14, v27;
	v17 =	vadd.s32 v9, v12  }
0x72: {  	v12 =	vadd.s32 v10, v12;
	[tilespmem:v19+s18+$0x0] =	vst.idx.add.f32.msk $0xffff, v15;
	v15 =	vor.u32 v14, v17  }
0x73: {  	v12 =	vor.u32 v14, v12;
	[tilespmem:v21+s18+$0x0] =	vst.idx.add.f32.msk $0xffff, v16  }
0x74: {  	[tilespmem:v23+s18+$0x0] =	vst.idx.add.f32.msk $0xffff, v18  }
0x75: {  	[tilespmem:v25+s18+$0x0] =	vst.idx.add.f32.msk $0xffff, v20  }
0x76: {  	[tilespmem:v11+s18+$0x0] =	vst.idx.add.f32.msk $0xffff, v22  }
0x77: {  	[tilespmem:v15+s18+$0x0] =	vst.idx.add.f32.msk $0xffff, v24  }
0x78: {  	[tilespmem:v12+s18+$0x0] =	vst.idx.add.f32.msk $0xffff, v26  }
0x79: {  	v14 =	vshll.u32 v13, $0x3;
	v11 =	vld [tilespmem:s21+$0x9A00]  }
0x7a: {  	v14 =	vand.u32 $0xFFFFFC00, v14;
	v12 =	vld [tilespmem:s6+$0x9A00]  }
0x7b: {  	v13 =	vand.u32 $0x7F, v13;
	v15 =	vadd.s32 v3, v14;
	v22 =	vld [tilespmem:s2+$0x0]  }
0x7c: {  	v24 =	vor.u32 v13, v15;
	v15 =	vadd.s32 v4, v14;
	v23 =	vld [tilespmem:s2+$0x80]  }
0x7d: {  	v17 =	vadd.s32 v5, v14;
	v25 =	vor.u32 v13, v15;
	v16 =	vld [tilespmem:s2+$0x100]  }
.Ltmp2:
0x7e: {  	v18 =	vadd.s32 v6, v14;
	v21 =	vor.u32 v13, v17;
	v15 =	vld [tilespmem:s2+$0x180];
	(pc) =	sbr.rel @p0 .LBB2_7-.Ltmp2, $4  }
0x7f: {  	v19 =	vor.u32 v13, v18;
	v20 =	vadd.s32 v7, v14;
	v17 =	vld [tilespmem:s2+$0x200]  }
0x80: {  	v20 =	vor.u32 v13, v20;
	v18 =	vld [tilespmem:s2+$0x280]  }
0x81: {  	[tilespmem:v24+s18+$0x0] =	vst.idx.add.f32.msk $0xffff, v22;
	v22 =	vadd.s32 v8, v14  }
0x82: {  	s30 =	sadd.s32 $0x20, s30;
	[tilespmem:v25+s18+$0x0] =	vst.idx.add.f32.msk $0xffff, v23;
	v22 =	vor.u32 v13, v22;
	v23 =	vadd.s32 v9, v14  }
0x83: {  	_ =	sdelay $0x2  }
0x84: {  	v3 =	vor.u32 v13, v23;
	v4 =	vadd.s32 v10, v14  }
0x85: {  	[tilespmem:v21+s18+$0x0] =	vst.idx.add.f32.msk $0xffff, v16;
	v4 =	vor.u32 v13, v4  }
0x86: {  	[tilespmem:v19+s18+$0x0] =	vst.idx.add.f32.msk $0xffff, v15  }
0x87: {  	s25 =	sshll.u32 s24, $0x16;
	[tilespmem:v20+s18+$0x0] =	vst.idx.add.f32.msk $0xffff, v17  }
0x88: {  	s7 =	sshll.u32 s24, $0xC;
	s0 =	sadd.s32 s8, s25;
	[tilespmem:v22+s18+$0x0] =	vst.idx.add.f32.msk $0xffff, v18  }
0x89: {  	s2 =	sor.u32 s10, s7;
	s0 =	sshrl.u32 s0, $0x3;
	[tilespmem:v3+s18+$0x0] =	vst.idx.add.f32.msk $0xffff, v11  }
0x8a: {  	s28 =	simm.s32 $0x0;
	s2 =	sshrl.u32 s2, $0x3;
	s0 =	sadd.s32 s1, s0;
	[tilespmem:v4+s18+$0x0] =	vst.idx.add.f32.msk $0xffff, v12  }
0x8b: {  	[tilespmem:s14], [sflag:$0x1] =	stream.linear.gather [hbm4b:s0+s28], $0x6800, $0x38;
	[tilespmem:$0x16A00] =	vst v63  }
0x8c: {  	s2 =	sadd.s32 s4, s2;
	s0 =	sadd.s32 $0x1A00, s7  }
0x8d: {  	[hbm4b:s2+s28] =	stream.linear.scatter [tilespmem:s0], [sflag:$0x3], $0x800, $0x38;
	[tilespmem:$0x16A00] =	vst v63  }
0x8e: {  	s0 =	sand.u32 $0x60, s28;
	_ =	swait.ge [sflag:s19], $0x6800  }
0x8f: {  	s6 =	sand.u32 $0xF80, s28;
	s20 =	sor.u32 $0x10, s0;
	[sflag:s19] =	ssyncset.done $0x0  }
0x90: {  	s26 =	sor.u32 $0x8, s26;
	s6 =	sor.u32 s20, s6;
	[sflag:s19] =	ssyncadd.s32 $0xFFFF9800  }
0x91: {  	v3 =	vmov s26;
	v8 =	vld [tilespmem:s6+$0xD00]  }
0x92: {  	v3 =	vshrl.u32 v3, $0x3  }
0x93: {  	s21 =	sand.u32 $0x7C00, s28;
	v10 =	vshll.u32 v3, v2  }
0x94: {  	s29 =	simm.s32 $0xD00;
	v3 =	vbroadcast v10, $0x0;
	s6 =	sor.u32 $0x10200, s21  }
0x95: {  	v4 =	vor.u32 $0x80, v10;
	v5 =	vor.u32 $0x100, v10;
	v6 =	vor.u32 $0x180, v10;
	v13 =	vld [tilespmem:s29+$0x0];
	s2 =	sor.u32 s20, s6  }
0x96: {  	v7 =	vor.u32 $0x200, v10;
	v4 =	vbroadcast v4, $0x0;
	s20 =	sand.u32 $0x3, s28;
	v11 =	vld [tilespmem:s2+$0x0];
	v9 =	vshll.u32 v8, $0x3  }
0x97: {  	v5 =	vbroadcast v5, $0x0;
	v6 =	vbroadcast v6, $0x0;
	v12 =	vld [tilespmem:s2+$0x80];
	s20 =	sshll.u32 s20, $0x5;
	v14 =	vand.u32 $0xFFFFFC00, v9  }
0x98: {  	v15 =	vld [tilespmem:s2+$0x100];
	s20 =	sadd.s32 $0x0, s20;
	v16 =	vand.u32 $0x7F, v8;
	v9 =	vor.u32 $0x280, v10;
	v17 =	vadd.s32 v3, v14  }
0x99: {  	v18 =	vld [tilespmem:s2+$0x180];
	s21 =	sadd.s32 $0x10, s20;
	v8 =	vbroadcast v9, $0x0;
	v9 =	vadd.s32 v4, v14;
	v17 =	vor.u32 v16, v17  }
0x9a: {  	v19 =	vor.u32 $0x300, v10;
	v7 =	vbroadcast v7, $0x0;
	v20 =	vld [tilespmem:s2+$0x200];
	s7 =	sor.u32 $0x300, s21;
	v21 =	vor.u32 v16, v9  }
0x9b: {  	v10 =	vor.u32 $0x380, v10;
	v24 =	vld [tilespmem:s7+$0x10200];
	s7 =	sor.u32 $0x380, s21;
	v22 =	vadd.s32 v5, v14;
	v23 =	vadd.s32 v6, v14  }
0x9c: {  	v25 =	vadd.s32 v7, v14;
	v10 =	vbroadcast v10, $0x0;
	v26 =	vld [tilespmem:s7+$0x10200];
	v22 =	vor.u32 v16, v22  }
0x9d: {  	v9 =	vbroadcast v19, $0x0;
	v19 =	vld [tilespmem:s2+$0x280];
	v23 =	vor.u32 v16, v23;
	v27 =	vadd.s32 v8, v14  }
0x9e: {  	v25 =	vor.u32 v16, v25;
	[tilespmem:v17+s18+$0x0] =	vst.idx.add.f32.msk $0xffff, v11;
	v11 =	vor.u32 v16, v27  }
0x9f: {  	s0 =	sor.u32 s0, s6;
	v17 =	vadd.s32 v9, v14;
	v14 =	vadd.s32 v10, v14;
	[tilespmem:v21+s18+$0x0] =	vst.idx.add.f32.msk $0xffff, v12  }
0xa0: {  	v12 =	vor.u32 v16, v17;
	v14 =	vor.u32 v16, v14;
	v16 =	vld [tilespmem:s0+$0x100]  }
0xa1: {  	[tilespmem:v22+s18+$0x0] =	vst.idx.add.f32.msk $0xffff, v15  }
0xa2: {  	[tilespmem:v23+s18+$0x0] =	vst.idx.add.f32.msk $0xffff, v18  }
0xa3: {  	[tilespmem:v25+s18+$0x0] =	vst.idx.add.f32.msk $0xffff, v20  }
0xa4: {  	[tilespmem:v11+s18+$0x0] =	vst.idx.add.f32.msk $0xffff, v19  }
0xa5: {  	[tilespmem:v12+s18+$0x0] =	vst.idx.add.f32.msk $0xffff, v24  }
0xa6: {  	[tilespmem:v14+s18+$0x0] =	vst.idx.add.f32.msk $0xffff, v26;
	v14 =	vshll.u32 v13, $0x3  }
0xa7: {  	v17 =	vld [tilespmem:s0+$0x200];
	v14 =	vand.u32 $0xFFFFFC00, v14  }
0xa8: {  	v22 =	vld [tilespmem:s0+$0x0];
	v13 =	vand.u32 $0x7F, v13;
	v15 =	vadd.s32 v3, v14  }
0xa9: {  	s21 =	sor.u32 $0x300, s20;
	v23 =	vld [tilespmem:s0+$0x80];
	v62 =	vor.u32 v13, v15;
	v15 =	vadd.s32 v4, v14  }
0xaa: {  	s20 =	sor.u32 $0x380, s20;
	v11 =	vld [tilespmem:s21+$0x10200];
	v18 =	vadd.s32 v5, v14;
	v63 =	vor.u32 v13, v15  }
0xab: {  	v12 =	vld [tilespmem:s20+$0x10200];
	v19 =	vadd.s32 v6, v14;
	v21 =	vor.u32 v13, v18  }
0xac: {  	v20 =	vadd.s32 v7, v14;
	v19 =	vor.u32 v13, v19;
	v15 =	vld [tilespmem:s0+$0x180]  }
0xad: {  	v18 =	vld [tilespmem:s0+$0x280];
	v20 =	vor.u32 v13, v20  }
0xae: {  	[tilespmem:v62+s18+$0x0] =	vst.idx.add.f32.msk $0xffff, v22;
	v22 =	vadd.s32 v8, v14  }
0xaf: {  	s30 =	simm.s32 $0x0;
	s31 =	simm.s32 $0x20;
	s2 =	simm.s32 $0x0;
	[tilespmem:v63+s18+$0x0] =	vst.idx.add.f32.msk $0xffff, v23;
	v22 =	vor.u32 v13, v22;
	v23 =	vadd.s32 v9, v14  }
.LBB2_9:
0xb0: {  	s0 =	sand.u32 $0x60, s31;
	[tilespmem:v21+s18+$0x0] =	vst.idx.add.f32.msk $0xffff, v16;
	v16 =	vor.u32 v13, v23;
	v14 =	vadd.s32 v10, v14  }
0xb1: {  	s20 =	sand.u32 $0xF80, s31;
	s6 =	sor.u32 $0x10, s0;
	[tilespmem:v19+s18+$0x0] =	vst.idx.add.f32.msk $0xffff, v15;
	v13 =	vor.u32 v13, v14  }
0xb2: {  	s20 =	sor.u32 s6, s20;
	[tilespmem:v20+s18+$0x0] =	vst.idx.add.f32.msk $0xffff, v17  }
0xb3: {  	v14 =	vld [tilespmem:s20+$0xD00]  }
0xb4: {  	s28 =	sadd.s32 $0x100, s28;
	[tilespmem:v22+s18+$0x0] =	vst.idx.add.f32.msk $0xffff, v18  }
0xb5: {  	s20 =	sand.u32 $0x7C00, s28;
	[tilespmem:v16+s18+$0x0] =	vst.idx.add.f32.msk $0xffff, v11  }
0xb6: {  	s29 =	sadd.s32 $0x20, s29;
	s20 =	sor.u32 $0x10200, s20;
	[tilespmem:v13+s18+$0x0] =	vst.idx.add.f32.msk $0xffff, v12  }
0xb7: {  	s30 =	sadd.s32 $0x2, s30;
	s0 =	sor.u32 s0, s20;
	s6 =	sor.u32 s6, s20;
	v13 =	vld [tilespmem:s29+$0x0]  }
0xb8: {  	s2 =	sadd.s32 $0x1, s2;
	p0 =	slt.u32 s30, $0xCE;
	v11 =	vld [tilespmem:s6+$0x0];
	v12 =	vshll.u32 v14, $0x3  }
0xb9: {  	s20 =	sand.u32 $0x3, s2;
	v15 =	vld [tilespmem:s6+$0x80];
	v12 =	vand.u32 $0xFFFFFC00, v12  }
0xba: {  	s20 =	sshll.u32 s20, $0x5;
	v14 =	vand.u32 $0x7F, v14;
	v16 =	vld [tilespmem:s6+$0x100];
	v17 =	vadd.s32 v3, v12  }
0xbb: {  	s20 =	sadd.s32 s20, s28;
	v19 =	vadd.s32 v4, v12;
	v18 =	vld [tilespmem:s6+$0x180];
	v17 =	vor.u32 v14, v17  }
0xbc: {  	s21 =	sor.u32 $0x300, s20;
	s7 =	sor.u32 $0x380, s20;
	s20 =	sadd.s32 $0x10, s20;
	v21 =	vadd.s32 v5, v12;
	v19 =	vor.u32 v14, v19;
	v20 =	vld [tilespmem:s6+$0x200]  }
0xbd: {  	v23 =	vadd.s32 v6, v12;
	v21 =	vor.u32 v14, v21;
	v22 =	vld [tilespmem:s6+$0x280];
	s6 =	sor.u32 $0x300, s20  }
0xbe: {  	v25 =	vadd.s32 v7, v12;
	v23 =	vor.u32 v14, v23;
	v24 =	vld [tilespmem:s6+$0x10200];
	s6 =	sor.u32 $0x380, s20  }
0xbf: {  	v27 =	vadd.s32 v8, v12;
	v25 =	vor.u32 v14, v25;
	v26 =	vld [tilespmem:s6+$0x10200]  }
0xc0: {  	[tilespmem:v17+s18+$0x0] =	vst.idx.add.f32.msk $0xffff, v11;
	v11 =	vor.u32 v14, v27;
	v17 =	vadd.s32 v9, v12  }
0xc1: {  	v12 =	vadd.s32 v10, v12;
	[tilespmem:v19+s18+$0x0] =	vst.idx.add.f32.msk $0xffff, v15;
	v15 =	vor.u32 v14, v17  }
0xc2: {  	v12 =	vor.u32 v14, v12;
	[tilespmem:v21+s18+$0x0] =	vst.idx.add.f32.msk $0xffff, v16  }
0xc3: {  	[tilespmem:v23+s18+$0x0] =	vst.idx.add.f32.msk $0xffff, v18  }
0xc4: {  	[tilespmem:v25+s18+$0x0] =	vst.idx.add.f32.msk $0xffff, v20  }
0xc5: {  	[tilespmem:v11+s18+$0x0] =	vst.idx.add.f32.msk $0xffff, v22  }
0xc6: {  	[tilespmem:v15+s18+$0x0] =	vst.idx.add.f32.msk $0xffff, v24  }
0xc7: {  	[tilespmem:v12+s18+$0x0] =	vst.idx.add.f32.msk $0xffff, v26  }
0xc8: {  	v14 =	vshll.u32 v13, $0x3;
	v11 =	vld [tilespmem:s21+$0x10200]  }
0xc9: {  	v14 =	vand.u32 $0xFFFFFC00, v14;
	v12 =	vld [tilespmem:s7+$0x10200]  }
0xca: {  	v13 =	vand.u32 $0x7F, v13;
	v15 =	vadd.s32 v3, v14;
	v22 =	vld [tilespmem:s0+$0x0]  }
0xcb: {  	v24 =	vor.u32 v13, v15;
	v15 =	vadd.s32 v4, v14;
	v23 =	vld [tilespmem:s0+$0x80]  }
0xcc: {  	v17 =	vadd.s32 v5, v14;
	v25 =	vor.u32 v13, v15;
	v16 =	vld [tilespmem:s0+$0x100]  }
.Ltmp3:
0xcd: {  	v18 =	vadd.s32 v6, v14;
	v21 =	vor.u32 v13, v17;
	v15 =	vld [tilespmem:s0+$0x180];
	(pc) =	sbr.rel @p0 .LBB2_9-.Ltmp3, $4  }
0xce: {  	v19 =	vor.u32 v13, v18;
	v20 =	vadd.s32 v7, v14;
	v17 =	vld [tilespmem:s0+$0x200]  }
0xcf: {  	v20 =	vor.u32 v13, v20;
	v18 =	vld [tilespmem:s0+$0x280]  }
0xd0: {  	[tilespmem:v24+s18+$0x0] =	vst.idx.add.f32.msk $0xffff, v22;
	v22 =	vadd.s32 v8, v14  }
0xd1: {  	s31 =	sadd.s32 $0x20, s31;
	[tilespmem:v25+s18+$0x0] =	vst.idx.add.f32.msk $0xffff, v23;
	v22 =	vor.u32 v13, v22;
	v23 =	vadd.s32 v9, v14  }
0xd2: {  	_ =	sdelay $0x2  }
0xd3: {  	v3 =	vor.u32 v13, v23;
	v4 =	vadd.s32 v10, v14  }
0xd4: {  	[tilespmem:v21+s18+$0x0] =	vst.idx.add.f32.msk $0xffff, v16;
	v4 =	vor.u32 v13, v4  }
0xd5: {  	[tilespmem:v19+s18+$0x0] =	vst.idx.add.f32.msk $0xffff, v15  }
0xd6: {  	s24 =	sadd.s32 $0x1, s24;
	[tilespmem:v20+s18+$0x0] =	vst.idx.add.f32.msk $0xffff, v17  }
0xd7: {  	s0 =	sadd.s32 s9, s25;
	s31 =	sshll.u32 s26, $0x8;
	p0 =	sne.s32 s24, $0x7;
	[tilespmem:v22+s18+$0x0] =	vst.idx.add.f32.msk $0xffff, v18  }
.Ltmp4:
0xd8: {  	s0 =	sshrl.u32 s0, $0x3;
	s2 =	sor.u32 s10, s31;
	[tilespmem:v3+s18+$0x0] =	vst.idx.add.f32.msk $0xffff, v11;
	(pc) =	sbr.rel @p0 .LBB2_6-.Ltmp4, $4  }
0xd9: {  	s0 =	sadd.s32 s1, s0;
	s2 =	sshrl.u32 s2, $0x3;
	[tilespmem:v4+s18+$0x0] =	vst.idx.add.f32.msk $0xffff, v12  }
0xda: {  	[tilespmem:s15], [sflag:$0x2] =	stream.linear.gather [hbm4b:s0+s3], $0x6800, $0x38;
	[tilespmem:$0x16A00] =	vst v63  }
0xdb: {  	s2 =	sadd.s32 s4, s2;
	s0 =	sadd.s32 $0x1A00, s31  }
0xdc: {  	[hbm4b:s2+s3] =	stream.linear.scatter [tilespmem:s0], [sflag:$0x3], $0x800, $0x38;
	[tilespmem:$0x16A00] =	vst v63  }
0xdd: {  	s24 =	simm.s32 $0x0  }
0xde: {  	_ =	swait.ge [sflag:s17], $0x6800;
	s0 =	sand.u32 $0x60, s24  }
0xdf: {  	[sflag:s17] =	ssyncset.done $0x0;
	s6 =	sand.u32 $0xF80, s24;
	s2 =	sor.u32 $0x10, s0  }
0xe0: {  	[sflag:s17] =	ssyncadd.s32 $0xFFFF9800;
	s6 =	sor.u32 s2, s6  }
0xe1: {  	v3 =	vld [tilespmem:s6+$0xD00];
	_ =	sdelay $0x1  }
0xe2: {  	s26 =	sand.u32 $0x7C00, s24  }
0xe3: {  	s25 =	simm.s32 $0xD00;
	s6 =	sadd.s32 $0x9A00, s26  }
0xe4: {  	v5 =	vld [tilespmem:s25+$0x0];
	s2 =	sor.u32 s2, s6  }
0xe5: {  	s7 =	sand.u32 $0x3, s24;
	v4 =	vld [tilespmem:s2+$0x0];
	v6 =	vshll.u32 v3, $0x3  }
0xe6: {  	s7 =	sshll.u32 s7, $0x5;
	v7 =	vld [tilespmem:s2+$0x80];
	v3 =	vand.u32 $0x7F, v3;
	v6 =	vand.u32 $0xFFFFFC00, v6  }
0xe7: {  	s7 =	sadd.s32 $0x0, s7;
	v8 =	vld [tilespmem:s2+$0x100];
	v3 =	vor.u32 v3, v6  }
0xe8: {  	s20 =	sadd.s32 $0x10, s7;
	v10 =	vld [tilespmem:s2+$0x200];
	v9 =	vadd.s32 $0x7000, v3  }
0xe9: {  	s29 =	sor.u32 $0x300, s20;
	v12 =	vld [tilespmem:s2+$0x280]  }
0xea: {  	s30 =	sor.u32 $0x380, s20;
	v14 =	vld [tilespmem:s29+$0x9A00];
	v11 =	vadd.s32 $0x7080, v3  }
0xeb: {  	v16 =	vld [tilespmem:s30+$0x9A00];
	v13 =	vadd.s32 $0x7100, v3  }
0xec: {  	v6 =	vld [tilespmem:s2+$0x180]  }
0xed: {  	s0 =	sor.u32 s0, s6;
	[tilespmem:v9+s18+$0x0] =	vst.idx.add.f32.msk $0xffff, v4  }
0xee: {  	v15 =	vadd.s32 $0x7180, v3;
	v9 =	vld [tilespmem:s0+$0x100]  }
0xef: {  	v17 =	vadd.s32 $0x7200, v3;
	[tilespmem:v11+s18+$0x0] =	vst.idx.add.f32.msk $0xffff, v7  }
0xf0: {  	[tilespmem:v13+s18+$0x0] =	vst.idx.add.f32.msk $0xffff, v8  }
0xf1: {  	v4 =	vadd.s32 $0x7280, v3;
	v13 =	vld [tilespmem:s0+$0x80]  }
0xf2: {  	v8 =	vld [tilespmem:s0+$0x180]  }
0xf3: {  	[tilespmem:v15+s18+$0x0] =	vst.idx.add.f32.msk $0xffff, v6  }
0xf4: {  	v7 =	vadd.s32 $0x7300, v3;
	[tilespmem:v17+s18+$0x0] =	vst.idx.add.f32.msk $0xffff, v10  }
0xf5: {  	v6 =	vshll.u32 v5, $0x3;
	v10 =	vld [tilespmem:s0+$0x0]  }
0xf6: {  	s31 =	sor.u32 $0x300, s7;
	s7 =	sor.u32 $0x380, s7;
	v3 =	vadd.s32 $0x7380, v3;
	v5 =	vand.u32 $0x7F, v5;
	v6 =	vand.u32 $0xFFFFFC00, v6;
	[tilespmem:v4+s18+$0x0] =	vst.idx.add.f32.msk $0xffff, v12  }
0xf7: {  	v4 =	vld [tilespmem:s7+$0x9A00];
	v5 =	vor.u32 v5, v6  }
0xf8: {  	v6 =	vld [tilespmem:s0+$0x280];
	v11 =	vadd.s32 $0x7000, v5  }
0xf9: {  	[tilespmem:v7+s18+$0x0] =	vst.idx.add.f32.msk $0xffff, v14  }
0xfa: {  	v7 =	vld [tilespmem:s0+$0x200]  }
0xfb: {  	v14 =	vadd.s32 $0x7080, v5;
	[tilespmem:v3+s18+$0x0] =	vst.idx.add.f32.msk $0xffff, v16  }
0xfc: {  	v12 =	vadd.s32 $0x7100, v5;
	v3 =	vld [tilespmem:s31+$0x9A00]  }
0xfd: {  	[tilespmem:v11+s18+$0x0] =	vst.idx.add.f32.msk $0xffff, v10;
	v11 =	vadd.s32 $0x7180, v5  }
0xfe: {  	v10 =	vadd.s32 $0x7200, v5;
	_ =	sdelay $0x1  }
0xff: {  	s28 =	simm.s32 $0x0;
	s26 =	simm.s32 $0x20;
	s2 =	simm.s32 $0x0;
	[tilespmem:v14+s18+$0x0] =	vst.idx.add.f32.msk $0xffff, v13;
	v13 =	vadd.s32 $0x7280, v5  }
.LBB2_12:
0x100: {  	s0 =	sand.u32 $0x60, s26;
	[tilespmem:v12+s18+$0x0] =	vst.idx.add.f32.msk $0xffff, v9;
	v9 =	vadd.s32 $0x7300, v5  }
0x101: {  	s7 =	sand.u32 $0xF80, s26;
	v5 =	vadd.s32 $0x7380, v5;
	s6 =	sor.u32 $0x10, s0;
	[tilespmem:v11+s18+$0x0] =	vst.idx.add.f32.msk $0xffff, v8  }
0x102: {  	s7 =	sor.u32 s6, s7;
	[tilespmem:v10+s18+$0x0] =	vst.idx.add.f32.msk $0xffff, v7  }
0x103: {  	v7 =	vld [tilespmem:s7+$0xD00]  }
0x104: {  	s24 =	sadd.s32 $0x100, s24;
	[tilespmem:v13+s18+$0x0] =	vst.idx.add.f32.msk $0xffff, v6  }
0x105: {  	s7 =	sand.u32 $0x7C00, s24;
	[tilespmem:v9+s18+$0x0] =	vst.idx.add.f32.msk $0xffff, v3  }
0x106: {  	s25 =	sadd.s32 $0x20, s25;
	s7 =	sadd.s32 $0x9A00, s7;
	[tilespmem:v5+s18+$0x0] =	vst.idx.add.f32.msk $0xffff, v4  }
0x107: {  	s2 =	sadd.s32 $0x2, s2;
	s0 =	sor.u32 s0, s7;
	s6 =	sor.u32 s6, s7;
	v5 =	vld [tilespmem:s25+$0x0]  }
0x108: {  	s28 =	sadd.s32 $0x1, s28;
	p0 =	slt.u32 s2, $0xCE;
	v3 =	vld [tilespmem:s6+$0x0];
	v4 =	vshll.u32 v7, $0x3  }
0x109: {  	s7 =	sand.u32 $0x3, s28;
	v7 =	vand.u32 $0x7F, v7;
	v6 =	vld [tilespmem:s6+$0x80];
	v4 =	vand.u32 $0xFFFFFC00, v4  }
0x10a: {  	s7 =	sshll.u32 s7, $0x5;
	v8 =	vld [tilespmem:s6+$0x100];
	v4 =	vor.u32 v7, v4  }
0x10b: {  	s7 =	sadd.s32 s7, s24;
	v7 =	vld [tilespmem:s6+$0x180];
	v9 =	vadd.s32 $0x7000, v4  }
0x10c: {  	s20 =	sor.u32 $0x300, s7;
	s21 =	sor.u32 $0x380, s7;
	s7 =	sadd.s32 $0x10, s7;
	v11 =	vadd.s32 $0x7080, v4;
	v10 =	vld [tilespmem:s6+$0x200]  }
0x10d: {  	v13 =	vadd.s32 $0x7100, v4;
	v12 =	vld [tilespmem:s6+$0x280];
	s6 =	sor.u32 $0x300, s7  }
0x10e: {  	v15 =	vadd.s32 $0x7180, v4;
	v14 =	vld [tilespmem:s6+$0x9A00];
	s6 =	sor.u32 $0x380, s7  }
0x10f: {  	v17 =	vadd.s32 $0x7200, v4;
	v16 =	vld [tilespmem:s6+$0x9A00]  }
0x110: {  	[tilespmem:v9+s18+$0x0] =	vst.idx.add.f32.msk $0xffff, v3;
	v3 =	vadd.s32 $0x7280, v4  }
0x111: {  	[tilespmem:v11+s18+$0x0] =	vst.idx.add.f32.msk $0xffff, v6;
	v6 =	vadd.s32 $0x7300, v4  }
0x112: {  	v4 =	vadd.s32 $0x7380, v4;
	[tilespmem:v13+s18+$0x0] =	vst.idx.add.f32.msk $0xffff, v8  }
0x113: {  	[tilespmem:v15+s18+$0x0] =	vst.idx.add.f32.msk $0xffff, v7  }
0x114: {  	[tilespmem:v17+s18+$0x0] =	vst.idx.add.f32.msk $0xffff, v10  }
0x115: {  	[tilespmem:v3+s18+$0x0] =	vst.idx.add.f32.msk $0xffff, v12  }
0x116: {  	[tilespmem:v6+s18+$0x0] =	vst.idx.add.f32.msk $0xffff, v14  }
0x117: {  	[tilespmem:v4+s18+$0x0] =	vst.idx.add.f32.msk $0xffff, v16  }
0x118: {  	v6 =	vshll.u32 v5, $0x3;
	v3 =	vld [tilespmem:s20+$0x9A00]  }
0x119: {  	v5 =	vand.u32 $0x7F, v5;
	v6 =	vand.u32 $0xFFFFFC00, v6;
	v4 =	vld [tilespmem:s21+$0x9A00]  }
0x11a: {  	v5 =	vor.u32 v5, v6;
	v13 =	vld [tilespmem:s0+$0x0]  }
0x11b: {  	v15 =	vadd.s32 $0x7000, v5;
	v14 =	vld [tilespmem:s0+$0x80]  }
0x11c: {  	v16 =	vadd.s32 $0x7080, v5;
	v9 =	vld [tilespmem:s0+$0x100]  }
.Ltmp5:
0x11d: {  	v12 =	vadd.s32 $0x7100, v5;
	v8 =	vld [tilespmem:s0+$0x180];
	(pc) =	sbr.rel @p0 .LBB2_12-.Ltmp5, $4  }
0x11e: {  	v11 =	vadd.s32 $0x7180, v5;
	v7 =	vld [tilespmem:s0+$0x200]  }
0x11f: {  	v10 =	vadd.s32 $0x7200, v5;
	v6 =	vld [tilespmem:s0+$0x280]  }
0x120: {  	[tilespmem:v15+s18+$0x0] =	vst.idx.add.f32.msk $0xffff, v13  }
0x121: {  	s26 =	sadd.s32 $0x20, s26;
	v13 =	vadd.s32 $0x7280, v5;
	[tilespmem:v16+s18+$0x0] =	vst.idx.add.f32.msk $0xffff, v14  }
0x122: {  	_ =	sdelay $0x2  }
0x123: {  	v14 =	vadd.s32 $0x7300, v5  }
0x124: {  	[tilespmem:v12+s18+$0x0] =	vst.idx.add.f32.msk $0xffff, v9;
	v5 =	vadd.s32 $0x7380, v5  }
0x125: {  	[tilespmem:v11+s18+$0x0] =	vst.idx.add.f32.msk $0xffff, v8  }
0x126: {  	[tilespmem:v10+s18+$0x0] =	vst.idx.add.f32.msk $0xffff, v7  }
0x127: {  	[tilespmem:v13+s18+$0x0] =	vst.idx.add.f32.msk $0xffff, v6  }
0x128: {  	[tilespmem:v14+s18+$0x0] =	vst.idx.add.f32.msk $0xffff, v3  }
0x129: {  	s24 =	simm.s32 $0x0;
	s0 =	simm.s32 $0x8A00;
	[tilespmem:v5+s18+$0x0] =	vst.idx.add.f32.msk $0xffff, v4  }
0x12a: {  	[hbm4b:s11+s24] =	stream.linear.scatter [tilespmem:s0], [sflag:$0x3], $0x800, $0x38;
	[tilespmem:$0x16A00] =	vst v63  }
0x12b: {  	s21 =	sand.u32 $0x60, s24;
	_ =	swait.ge [sflag:s19], $0x6800  }
0x12c: {  	s6 =	sand.u32 $0xF80, s24;
	s2 =	sor.u32 $0x10, s21;
	[sflag:s19] =	ssyncset.done $0x0  }
0x12d: {  	s6 =	sor.u32 s2, s6;
	[sflag:s19] =	ssyncadd.s32 $0xFFFF9800  }
0x12e: {  	s7 =	sand.u32 $0x3, s24;
	v3 =	vld [tilespmem:s6+$0xD00]  }
0x12f: {  	s7 =	sshll.u32 s7, $0x5  }
0x130: {  	s7 =	sadd.s32 $0x0, s7  }
0x131: {  	s25 =	simm.s32 $0xD00;
	s20 =	sadd.s32 $0x10, s7  }
0x132: {  	s26 =	sand.u32 $0x7C00, s24;
	s29 =	sor.u32 $0x300, s20;
	v5 =	vld [tilespmem:s25+$0x0]  }
0x133: {  	s30 =	sor.u32 $0x380, s20;
	s6 =	sor.u32 $0x10200, s26;
	v14 =	vld [tilespmem:s29+$0x10200];
	v6 =	vshll.u32 v3, $0x3  }
0x134: {  	v16 =	vld [tilespmem:s30+$0x10200];
	s2 =	sor.u32 s2, s6;
	v3 =	vand.u32 $0x7F, v3;
	v6 =	vand.u32 $0xFFFFFC00, v6  }
0x135: {  	v4 =	vld [tilespmem:s2+$0x0];
	v3 =	vor.u32 v3, v6  }
0x136: {  	v7 =	vld [tilespmem:s2+$0x80];
	v9 =	vadd.s32 $0x7800, v3  }
0x137: {  	v8 =	vld [tilespmem:s2+$0x100]  }
0x138: {  	v10 =	vld [tilespmem:s2+$0x200];
	v11 =	vadd.s32 $0x7880, v3  }
0x139: {  	v12 =	vld [tilespmem:s2+$0x280];
	v13 =	vadd.s32 $0x7900, v3  }
0x13a: {  	v6 =	vld [tilespmem:s2+$0x180]  }
0x13b: {  	s0 =	sor.u32 s21, s6;
	[tilespmem:v9+s18+$0x0] =	vst.idx.add.f32.msk $0xffff, v4  }
0x13c: {  	v15 =	vadd.s32 $0x7980, v3;
	v9 =	vld [tilespmem:s0+$0x100]  }
0x13d: {  	v17 =	vadd.s32 $0x7A00, v3;
	[tilespmem:v11+s18+$0x0] =	vst.idx.add.f32.msk $0xffff, v7  }
0x13e: {  	[tilespmem:v13+s18+$0x0] =	vst.idx.add.f32.msk $0xffff, v8  }
0x13f: {  	v4 =	vadd.s32 $0x7A80, v3;
	v13 =	vld [tilespmem:s0+$0x80]  }
0x140: {  	v8 =	vld [tilespmem:s0+$0x180]  }
0x141: {  	[tilespmem:v15+s18+$0x0] =	vst.idx.add.f32.msk $0xffff, v6  }
0x142: {  	v7 =	vadd.s32 $0x7B00, v3;
	[tilespmem:v17+s18+$0x0] =	vst.idx.add.f32.msk $0xffff, v10  }
0x143: {  	v6 =	vshll.u32 v5, $0x3;
	v10 =	vld [tilespmem:s0+$0x0]  }
0x144: {  	s31 =	sor.u32 $0x300, s7;
	s7 =	sor.u32 $0x380, s7;
	v3 =	vadd.s32 $0x7B80, v3;
	v5 =	vand.u32 $0x7F, v5;
	v6 =	vand.u32 $0xFFFFFC00, v6;
	[tilespmem:v4+s18+$0x0] =	vst.idx.add.f32.msk $0xffff, v12  }
0x145: {  	v4 =	vld [tilespmem:s7+$0x10200];
	v5 =	vor.u32 v5, v6  }
0x146: {  	v6 =	vld [tilespmem:s0+$0x280];
	v11 =	vadd.s32 $0x7800, v5  }
0x147: {  	[tilespmem:v7+s18+$0x0] =	vst.idx.add.f32.msk $0xffff, v14  }
0x148: {  	v7 =	vld [tilespmem:s0+$0x200]  }
0x149: {  	v14 =	vadd.s32 $0x7880, v5;
	[tilespmem:v3+s18+$0x0] =	vst.idx.add.f32.msk $0xffff, v16  }
0x14a: {  	v12 =	vadd.s32 $0x7900, v5;
	v3 =	vld [tilespmem:s31+$0x10200]  }
0x14b: {  	[tilespmem:v11+s18+$0x0] =	vst.idx.add.f32.msk $0xffff, v10;
	v11 =	vadd.s32 $0x7980, v5  }
0x14c: {  	v10 =	vadd.s32 $0x7A00, v5;
	_ =	sdelay $0x1  }
0x14d: {  	s28 =	simm.s32 $0x0;
	s26 =	simm.s32 $0x20;
	s2 =	simm.s32 $0x0;
	[tilespmem:v14+s18+$0x0] =	vst.idx.add.f32.msk $0xffff, v13;
	v13 =	vadd.s32 $0x7A80, v5  }
.LBB2_14:
0x14e: {  	s0 =	sand.u32 $0x60, s26;
	[tilespmem:v12+s18+$0x0] =	vst.idx.add.f32.msk $0xffff, v9;
	v9 =	vadd.s32 $0x7B00, v5  }
0x14f: {  	s7 =	sand.u32 $0xF80, s26;
	v5 =	vadd.s32 $0x7B80, v5;
	s6 =	sor.u32 $0x10, s0;
	[tilespmem:v11+s18+$0x0] =	vst.idx.add.f32.msk $0xffff, v8  }
0x150: {  	s7 =	sor.u32 s6, s7;
	[tilespmem:v10+s18+$0x0] =	vst.idx.add.f32.msk $0xffff, v7  }
0x151: {  	v7 =	vld [tilespmem:s7+$0xD00]  }
0x152: {  	s24 =	sadd.s32 $0x100, s24;
	[tilespmem:v13+s18+$0x0] =	vst.idx.add.f32.msk $0xffff, v6  }
0x153: {  	s7 =	sand.u32 $0x7C00, s24;
	[tilespmem:v9+s18+$0x0] =	vst.idx.add.f32.msk $0xffff, v3  }
0x154: {  	s25 =	sadd.s32 $0x20, s25;
	s7 =	sor.u32 $0x10200, s7;
	[tilespmem:v5+s18+$0x0] =	vst.idx.add.f32.msk $0xffff, v4  }
0x155: {  	s2 =	sadd.s32 $0x2, s2;
	s0 =	sor.u32 s0, s7;
	s6 =	sor.u32 s6, s7;
	v5 =	vld [tilespmem:s25+$0x0]  }
0x156: {  	s28 =	sadd.s32 $0x1, s28;
	p0 =	slt.u32 s2, $0xCE;
	v3 =	vld [tilespmem:s6+$0x0];
	v4 =	vshll.u32 v7, $0x3  }
0x157: {  	s7 =	sand.u32 $0x3, s28;
	v7 =	vand.u32 $0x7F, v7;
	v6 =	vld [tilespmem:s6+$0x80];
	v4 =	vand.u32 $0xFFFFFC00, v4  }
0x158: {  	s7 =	sshll.u32 s7, $0x5;
	v8 =	vld [tilespmem:s6+$0x100];
	v4 =	vor.u32 v7, v4  }
0x159: {  	s7 =	sadd.s32 s7, s24;
	v7 =	vld [tilespmem:s6+$0x180];
	v9 =	vadd.s32 $0x7800, v4  }
0x15a: {  	s20 =	sor.u32 $0x300, s7;
	s21 =	sor.u32 $0x380, s7;
	s7 =	sadd.s32 $0x10, s7;
	v11 =	vadd.s32 $0x7880, v4;
	v10 =	vld [tilespmem:s6+$0x200]  }
0x15b: {  	v13 =	vadd.s32 $0x7900, v4;
	v12 =	vld [tilespmem:s6+$0x280];
	s6 =	sor.u32 $0x300, s7  }
0x15c: {  	v15 =	vadd.s32 $0x7980, v4;
	v14 =	vld [tilespmem:s6+$0x10200];
	s6 =	sor.u32 $0x380, s7  }
0x15d: {  	v17 =	vadd.s32 $0x7A00, v4;
	v16 =	vld [tilespmem:s6+$0x10200]  }
0x15e: {  	[tilespmem:v9+s18+$0x0] =	vst.idx.add.f32.msk $0xffff, v3;
	v3 =	vadd.s32 $0x7A80, v4  }
0x15f: {  	[tilespmem:v11+s18+$0x0] =	vst.idx.add.f32.msk $0xffff, v6;
	v6 =	vadd.s32 $0x7B00, v4  }
0x160: {  	v4 =	vadd.s32 $0x7B80, v4;
	[tilespmem:v13+s18+$0x0] =	vst.idx.add.f32.msk $0xffff, v8  }
0x161: {  	[tilespmem:v15+s18+$0x0] =	vst.idx.add.f32.msk $0xffff, v7  }
0x162: {  	[tilespmem:v17+s18+$0x0] =	vst.idx.add.f32.msk $0xffff, v10  }
0x163: {  	[tilespmem:v3+s18+$0x0] =	vst.idx.add.f32.msk $0xffff, v12  }
0x164: {  	[tilespmem:v6+s18+$0x0] =	vst.idx.add.f32.msk $0xffff, v14  }
0x165: {  	[tilespmem:v4+s18+$0x0] =	vst.idx.add.f32.msk $0xffff, v16  }
0x166: {  	v6 =	vshll.u32 v5, $0x3;
	v3 =	vld [tilespmem:s20+$0x10200]  }
0x167: {  	v5 =	vand.u32 $0x7F, v5;
	v6 =	vand.u32 $0xFFFFFC00, v6;
	v4 =	vld [tilespmem:s21+$0x10200]  }
0x168: {  	v5 =	vor.u32 v5, v6;
	v13 =	vld [tilespmem:s0+$0x0]  }
0x169: {  	v15 =	vadd.s32 $0x7800, v5;
	v14 =	vld [tilespmem:s0+$0x80]  }
0x16a: {  	v16 =	vadd.s32 $0x7880, v5;
	v9 =	vld [tilespmem:s0+$0x100]  }
.Ltmp6:
0x16b: {  	v12 =	vadd.s32 $0x7900, v5;
	v8 =	vld [tilespmem:s0+$0x180];
	(pc) =	sbr.rel @p0 .LBB2_14-.Ltmp6, $4  }
0x16c: {  	v11 =	vadd.s32 $0x7980, v5;
	v7 =	vld [tilespmem:s0+$0x200]  }
0x16d: {  	v10 =	vadd.s32 $0x7A00, v5;
	v6 =	vld [tilespmem:s0+$0x280]  }
0x16e: {  	[tilespmem:v15+s18+$0x0] =	vst.idx.add.f32.msk $0xffff, v13  }
0x16f: {  	s26 =	sadd.s32 $0x20, s26;
	v13 =	vadd.s32 $0x7A80, v5;
	[tilespmem:v16+s18+$0x0] =	vst.idx.add.f32.msk $0xffff, v14  }
0x170: {  	_ =	sdelay $0x2  }
0x171: {  	v14 =	vadd.s32 $0x7B00, v5  }
0x172: {  	[tilespmem:v12+s18+$0x0] =	vst.idx.add.f32.msk $0xffff, v9;
	v63 =	vadd.s32 $0x7B80, v5  }
0x173: {  	[tilespmem:v11+s18+$0x0] =	vst.idx.add.f32.msk $0xffff, v8  }
0x174: {  	[tilespmem:v10+s18+$0x0] =	vst.idx.add.f32.msk $0xffff, v7  }
0x175: {  	[tilespmem:v13+s18+$0x0] =	vst.idx.add.f32.msk $0xffff, v6  }
0x176: {  	[tilespmem:v14+s18+$0x0] =	vst.idx.add.f32.msk $0xffff, v3  }
0x177: {  	s0 =	simm.s32 $0x9200;
	[tilespmem:v63+s18+$0x0] =	vst.idx.add.f32.msk $0xffff, v4  }
0x178: {  	[hbm4b:s12+s3] =	stream.linear.scatter [tilespmem:s0], [sflag:$0x3], $0x800, $0x38;
	[tilespmem:$0x16A00] =	vst v63  }
0x179: {  	_ =	swait.ge [sflag:s22], $0x800  }
0x17a: {  	[sflag:s22] =	ssyncset.done $0x0  }
0x17b: {  	[sflag:s22] =	ssyncadd.s32 $0xFFFFF800  }
0x17c: {  	_ =	swait.ge [sflag:s22], $0x800  }
0x17d: {  	[sflag:s22] =	ssyncset.done $0x0  }
0x17e: {  	[sflag:s22] =	ssyncadd.s32 $0xFFFFF800  }
0x17f: {  	_ =	swait.ge [sflag:s22], $0x800  }
0x180: {  	[sflag:s22] =	ssyncset.done $0x0  }
0x181: {  	[sflag:s22] =	ssyncadd.s32 $0xFFFFF800  }
0x182: {  	_ =	swait.ge [sflag:s22], $0x800  }
0x183: {  	[sflag:s22] =	ssyncset.done $0x0  }
0x184: {  	[sflag:s22] =	ssyncadd.s32 $0xFFFFF800  }
0x185: {  	_ =	swait.ge [sflag:s22], $0x800  }
0x186: {  	[sflag:s22] =	ssyncset.done $0x0  }
0x187: {  	[sflag:s22] =	ssyncadd.s32 $0xFFFFF800  }
0x188: {  	_ =	swait.ge [sflag:s22], $0x800  }
0x189: {  	[sflag:s22] =	ssyncset.done $0x0  }
0x18a: {  	[sflag:s22] =	ssyncadd.s32 $0xFFFFF800  }
0x18b: {  	_ =	swait.ge [sflag:s22], $0x800  }
0x18c: {  	[sflag:s22] =	ssyncset.done $0x0  }
0x18d: {  	[sflag:s22] =	ssyncadd.s32 $0xFFFFF800  }
0x18e: {  	_ =	swait.ge [sflag:s22], $0x800  }
0x18f: {  	[sflag:s22] =	ssyncset.done $0x0  }
0x190: {  	[sflag:s22] =	ssyncadd.s32 $0xFFFFF800  }
0x191: {  	_ =	swait.ge [sflag:s22], $0x800  }
0x192: {  	[sflag:s22] =	ssyncset.done $0x0  }
0x193: {  	[sflag:s22] =	ssyncadd.s32 $0xFFFFF800  }
0x194: {  	_ =	swait.ge [sflag:s22], $0x800  }
0x195: {  	[sflag:s22] =	ssyncset.done $0x0  }
0x196: {  	[sflag:s22] =	ssyncadd.s32 $0xFFFFF800  }
0x197: {  	_ =	swait.ge [sflag:s22], $0x800  }
0x198: {  	[sflag:s22] =	ssyncset.done $0x0  }
0x199: {  	[sflag:s22] =	ssyncadd.s32 $0xFFFFF800  }
0x19a: {  	_ =	swait.ge [sflag:s22], $0x800  }
0x19b: {  	[sflag:s22] =	ssyncset.done $0x0  }
0x19c: {  	[sflag:s22] =	ssyncadd.s32 $0xFFFFF800  }
0x19d: {  	_ =	swait.ge [sflag:s22], $0x800  }
0x19e: {  	[sflag:s22] =	ssyncset.done $0x0  }
0x19f: {  	[sflag:s22] =	ssyncadd.s32 $0xFFFFF800  }
0x1a0: {  	_ =	swait.ge [sflag:s22], $0x800  }
0x1a1: {  	[sflag:s22] =	ssyncset.done $0x0  }
0x1a2: {  	s23 =	sadd.s32 $0x1, s23;
	[sflag:s22] =	ssyncadd.s32 $0xFFFFF800  }
0x1a3: {  	p0 =	sne.s32 s23, s13;
	_ =	swait.ge [sflag:s22], $0x800  }
.Ltmp7:
0x1a4: {  	[sflag:s22] =	ssyncset.done $0x0;
	(pc) =	sbr.rel @p0 .LBB2_1-.Ltmp7, $4  }
0x1a5: {  	[sflag:s22] =	ssyncadd.s32 $0xFFFFF800  }
0x1a6: {  	_ =	swait.ge [sflag:s22], $0x800  }
0x1a7: {  	[sflag:s22] =	ssyncset.done $0x0  }
0x1a8: {  	[sflag:s22] =	ssyncadd.s32 $0xFFFFF800  }
0x1a9: {  	_ =	sfence.sel $0x180000  }
0x1aa: {  	[bflag:$0x0] =	sbarrier.arrive $0xFFFF  }
0x1ab: {  	_ =	strace $0x90000047  }
0x1ac: {  	s0 =	stileid.u32;
	[bflag:$0x2] =	sbarrier.arrive $0xFFFF  }
0x1ad: {  	p0 =	sne.s32 s0, $0x0;
	s0 =	rddreg [dreg:$0x3]  }
0x1ae: {  	s0 =	sadd.s32 @!p0 $0x100000, s0  }
0x1af: {  	[sflag:s0] =	ssyncadd.tile.s32 @!p0 $0x1;
	_ =	shalt  }
.Lfunc_end2:
_tile_overlayer_lowered:
.L_overlay_start_2:
0x1b0: {  	(tag) =	ssettag $0x2  }
0x1b1: {  	s0 =	rddreg [dreg:$0x0];
	s2 =	stileid.u32  }
0x1b2: {  	s1 =	rddreg [dreg:$0x1];
	p0 =	sne.s32 s2, $0x0  }
0x1b3: {  	s3 =	rddreg [dreg:$0x2];
	[bflag:$0x3] =	sbarrier.arrive $0xFFFF;
	s2 =	simm.s32 @!p0 $0x1C04  }
0x1b4: {  	[timem:s3], [sflag:s2] =	dma.local @!p0 [hbm:s0], s1  }
0x1b5: {  	s0 =	simm.s32 @!p0 $0x4  }
0x1b6: {  	_ =	swait.ge @!p0 [sflag:s0], s1  }
0x1b7: {  	s1 =	ssub.s32 @!p0 $0x0, s1;
	[sflag:s0] =	ssyncset.done @!p0 $0x0  }
0x1b8: {  	[sflag:s0] =	ssyncadd.s32 @!p0 s1  }
0x1b9: {  	[bflag:$0x3] =	sbarrier.arrive $0xFFFF  }
0x1ba: {  	_ =	shalt  }

</sc_bundles>
